<compile_context>
chip_gen: v7x
topology: tpu7x:2x2x1
jax: 0.10.2.dev20260603
libtpu: 0.0.44.dev20260713+nightly
codegen_flags: <defaults>
</compile_context>

<pallas_src>
import functools

import jax
import jax.numpy as jnp
from jax import lax
from jax.experimental import pallas as pl
from jax.experimental.pallas import tpu as pltpu
from jax.experimental.pallas import tpu_sc as plsc

N = 10000
E = 320000
D_IN = 128
D_DEG = 64
HID = 256
D_OUT = 128

NPAD = 10240
RB = 256
NBLK = NPAD // RB
NC = 2
NS = 16
NTILES = NC * NS
CHUNK = 128
CPT = 79
EPT = CPT * CHUNK
EPAD = NTILES * EPT
ROWS_PER_TILE = NPAD // NS



def _deg_body(dst_hbm, out_hbm, dstbuf, hist, sem):
    del sem
    c = lax.axis_index("c")
    s = lax.axis_index("s")
    w = s * NC + c
    pltpu.sync_copy(dst_hbm.at[w], dstbuf)

    def zero_body(i, carry):
        hist[pl.ds(i * 16, 16)] = jnp.zeros((16,), jnp.float32)
        return carry

    lax.fori_loop(0, NPAD // 16, zero_body, 0)
    ones = jnp.ones((16,), jnp.float32)

    def chunk_body(j, carry):
        for k in range(CHUNK // 16):
            idx = dstbuf[j, pl.ds(k * 16, 16)]
            plsc.addupdate_scatter(hist, [idx], ones)
        return carry

    lax.fori_loop(0, CPT, chunk_body, 0)
    pltpu.sync_copy(hist, out_hbm.at[w])


_deg_kernel = functools.partial(
    pl.kernel,
    out_type=jax.ShapeDtypeStruct((NTILES, NPAD), jnp.float32),
    mesh=plsc.VectorSubcoreMesh(core_axis_name="c", subcore_axis_name="s"),
    scratch_types=[
        pltpu.VMEM((CPT, CHUNK), jnp.int32),
        pltpu.VMEM((NPAD,), jnp.float32),
        pltpu.SemaphoreType.DMA,
    ],
    compiler_params=pltpu.CompilerParams(needs_layout_passes=False),
)(_deg_body)


def _spmm_l1_body(hp_hbm, src_hbm, dst_hbm, out_hbm, srcbuf, dstbuf, rowbuf,
                  acc, sem):
    c = lax.axis_index("c")
    s = lax.axis_index("s")
    r0 = s * ROWS_PER_TILE
    pltpu.sync_copy(hp_hbm.at[pl.ds(c * NPAD + r0, ROWS_PER_TILE)],
                    acc.at[pl.ds(r0, ROWS_PER_TILE)])
    plsc.subcore_barrier()

    def do_slab(slab):
        pltpu.sync_copy(src_hbm.at[c, slab], srcbuf)
        pltpu.sync_copy(dst_hbm.at[slab], dstbuf)

        def chunk_body(j, carry):
            pltpu.async_copy(hp_hbm.at[srcbuf.at[j]], rowbuf, sem).wait()
            pltpu.sync_copy(rowbuf, acc.at[dstbuf.at[j]], add=True)
            return carry

        lax.fori_loop(0, CPT, chunk_body, 0)

    do_slab(s)
    do_slab(s + NS)
    plsc.subcore_barrier()
    pltpu.sync_copy(acc.at[pl.ds(r0, ROWS_PER_TILE)],
                    out_hbm.at[pl.ds(c * NPAD + r0, ROWS_PER_TILE)])


_spmm_l1 = functools.partial(
    pl.kernel,
    out_type=jax.ShapeDtypeStruct((NC * NPAD, HID // 2), jnp.float32),
    mesh=plsc.VectorSubcoreMesh(core_axis_name="c", subcore_axis_name="s"),
    scratch_types=[
        pltpu.VMEM((CPT, CHUNK), jnp.int32),
        pltpu.VMEM((CPT, CHUNK), jnp.int32),
        pltpu.VMEM((CHUNK, HID // 2), jnp.float32),
        pltpu.VMEM_SHARED((NPAD, HID // 2), jnp.float32),
        pltpu.SemaphoreType.DMA,
    ],
    compiler_params=pltpu.CompilerParams(needs_layout_passes=False),
)(_spmm_l1_body)


def _spmm_l2_body(hp_hbm, src_hbm, dst_hbm, out_hbm, srcbuf, dstbuf, rowbuf,
                  acc, sem):
    c = lax.axis_index("c")
    s = lax.axis_index("s")
    r0 = s * ROWS_PER_TILE
    pltpu.sync_copy(hp_hbm.at[pl.ds(r0, ROWS_PER_TILE)],
                    acc.at[pl.ds(r0, ROWS_PER_TILE)])
    plsc.subcore_barrier()
    slab = c * NS + s
    pltpu.sync_copy(src_hbm.at[slab], srcbuf)
    pltpu.sync_copy(dst_hbm.at[slab], dstbuf)

    def chunk_body(j, carry):
        pltpu.async_copy(hp_hbm.at[srcbuf.at[j]], rowbuf, sem).wait()
        pltpu.sync_copy(rowbuf, acc.at[dstbuf.at[j]], add=True)
        return carry

    lax.fori_loop(0, CPT, chunk_body, 0)
    plsc.subcore_barrier()
    pltpu.sync_copy(acc.at[pl.ds(r0, ROWS_PER_TILE)],
                    out_hbm.at[c, pl.ds(r0, ROWS_PER_TILE)])


_spmm_l2 = functools.partial(
    pl.kernel,
    out_type=jax.ShapeDtypeStruct((NC, NPAD, D_OUT), jnp.float32),
    mesh=plsc.VectorSubcoreMesh(core_axis_name="c", subcore_axis_name="s"),
    scratch_types=[
        pltpu.VMEM((CPT, CHUNK), jnp.int32),
        pltpu.VMEM((CPT, CHUNK), jnp.int32),
        pltpu.VMEM((CHUNK, D_OUT), jnp.float32),
        pltpu.VMEM_SHARED((NPAD, D_OUT), jnp.float32),
        pltpu.SemaphoreType.DMA,
    ],
    compiler_params=pltpu.CompilerParams(needs_layout_passes=False),
)(_spmm_l2_body)



def _dinv_from_parts(degp):
    return lax.rsqrt(jnp.sum(degp, axis=0) + 1.0)


def _mm1_body(x_ref, ds_ref, degp_ref, w1a_ref, w1b_ref, out_ref):
    dinv = _dinv_from_parts(degp_ref[...])
    ds = ds_ref[0, 0, :]
    oh = (ds[:, None] == lax.broadcasted_iota(jnp.int32, (1, D_DEG), 1)
          ).astype(jnp.float32)
    h = (jnp.dot(x_ref[...], w1a_ref[...], precision=lax.Precision.HIGHEST,
                 preferred_element_type=jnp.float32)
         + jnp.dot(oh, w1b_ref[...], precision=lax.Precision.HIGHEST,
                   preferred_element_type=jnp.float32))
    hp = dinv[:, None] * h
    out_ref[0] = hp[:, :HID // 2]
    out_ref[1] = hp[:, HID // 2:]


def _mm1(x_pad, ds_pad, degp, w1a, w1b):
    return pl.pallas_call(
        _mm1_body,
        grid=(NBLK,),
        in_specs=[
            pl.BlockSpec((RB, D_IN), lambda i: (i, 0)),
            pl.BlockSpec((1, 1, RB), lambda i: (i, 0, 0)),
            pl.BlockSpec((NTILES, RB), lambda i: (0, i)),
            pl.BlockSpec((D_IN, HID), lambda i: (0, 0)),
            pl.BlockSpec((D_DEG, HID), lambda i: (0, 0)),
        ],
        out_specs=pl.BlockSpec((NC, RB, HID // 2), lambda i: (0, i, 0)),
        out_shape=jax.ShapeDtypeStruct((NC, NPAD, HID // 2), jnp.float32),
    )(x_pad, ds_pad, degp, w1a, w1b)


def _mm2_body(acc_ref, degp_ref, w2_ref, b1_ref, out_ref):
    dinv = _dinv_from_parts(degp_ref[...])
    a = jnp.concatenate([acc_ref[0], acc_ref[1]], axis=1)
    m = jnp.maximum(dinv[:, None] * a + b1_ref[...], 0.0)
    h2 = jnp.dot(m, w2_ref[...], precision=lax.Precision.HIGHEST,
                 preferred_element_type=jnp.float32)
    out_ref[...] = dinv[:, None] * h2


def _mm2(acc1, degp, w2, b1):
    return pl.pallas_call(
        _mm2_body,
        grid=(NBLK,),
        in_specs=[
            pl.BlockSpec((NC, RB, HID // 2), lambda i: (0, i, 0)),
            pl.BlockSpec((NTILES, RB), lambda i: (0, i)),
            pl.BlockSpec((HID, D_OUT), lambda i: (0, 0)),
            pl.BlockSpec((1, HID), lambda i: (0, 0)),
        ],
        out_specs=pl.BlockSpec((RB, D_OUT), lambda i: (i, 0)),
        out_shape=jax.ShapeDtypeStruct((NPAD, D_OUT), jnp.float32),
    )(acc1, degp, w2, b1)


def _mm3_body(acc_ref, hp2_ref, degp_ref, b2_ref, out_ref):
    dinv = _dinv_from_parts(degp_ref[...])
    a = acc_ref[0] + acc_ref[1] - hp2_ref[...]
    out_ref[...] = dinv[:, None] * a + b2_ref[...]


def _mm3(acc2, hp2, degp, b2):
    return pl.pallas_call(
        _mm3_body,
        grid=(NBLK,),
        in_specs=[
            pl.BlockSpec((NC, RB, D_OUT), lambda i: (0, i, 0)),
            pl.BlockSpec((RB, D_OUT), lambda i: (i, 0)),
            pl.BlockSpec((NTILES, RB), lambda i: (0, i)),
            pl.BlockSpec((1, D_OUT), lambda i: (0, 0)),
        ],
        out_specs=pl.BlockSpec((RB, D_OUT), lambda i: (i, 0)),
        out_shape=jax.ShapeDtypeStruct((NPAD, D_OUT), jnp.float32),
    )(acc2, hp2, degp, b2)



def kernel(x, edge_index, degree_set, W1, b1, W2, b2):
    x = x.astype(jnp.float32)
    src = edge_index[0].astype(jnp.int32)
    dst = edge_index[1].astype(jnp.int32)
    degree_set = degree_set.astype(jnp.int32)

    pad = EPAD - E
    srcp = jnp.concatenate([src, jnp.full((pad,), N, jnp.int32)])
    dstp = jnp.concatenate([dst, jnp.full((pad,), N, jnp.int32)])
    src_r = srcp.reshape(NTILES, CPT, CHUNK)
    dst_r = dstp.reshape(NTILES, CPT, CHUNK)
    src2 = jnp.stack([src_r, src_r + NPAD])

    x_pad = jnp.pad(x, ((0, NPAD - N), (0, 0)))
    ds_pad = jnp.pad(degree_set, (0, NPAD - N)).reshape(NBLK, 1, RB)

    degp = _deg_kernel(dst_r)

    hp1 = _mm1(x_pad, ds_pad, degp, W1[:D_IN], W1[D_IN:])
    acc1 = _spmm_l1(hp1.reshape(NC * NPAD, HID // 2), src2, dst_r)
    hp2 = _mm2(acc1.reshape(NC, NPAD, HID // 2), degp, W2,
               b1.reshape(1, HID))
    acc2 = _spmm_l2(hp2, src_r, dst_r)
    out = _mm3(acc2, hp2, degp, b2.reshape(1, D_OUT))
    return out[:N]

# --- scband reference (transcript-rebuilt; emitter-appended) ---
"""Pipeline reference for scband-gnnencoder-7954279432654 (READ-ONLY COPY).

The authoritative reference and input builder live on the scoring server;
editing this copy changes nothing except your own understanding.
"""

import jax, jax.numpy as jnp
import numpy as np

N_NODES = 10000
DEGREE_SET_SIZE = 64


def gcn_conv(x, src, dst, W, b, num_nodes):
    # PyG GCNConv: x' = D^{-1/2} (A + I) D^{-1/2} (X W) + b
    loop = jnp.arange(num_nodes, dtype=src.dtype)
    src_sl = jnp.concatenate([src, loop])
    dst_sl = jnp.concatenate([dst, loop])
    deg = jnp.zeros((num_nodes,), dtype=x.dtype).at[dst_sl].add(1.0)
    deg_inv_sqrt = jnp.where(deg > 0, deg ** -0.5, 0.0)
    norm = deg_inv_sqrt[src_sl] * deg_inv_sqrt[dst_sl]
    h = x @ W
    msgs = h[src_sl] * norm[:, None]
    out = jnp.zeros((num_nodes, h.shape[1]), dtype=h.dtype).at[dst_sl].add(msgs)
    return out + b


def setup_inputs(seed: int = 0) -> dict:
    key = jax.random.key(seed)
    k_x, k_ei, k_deg, k_w1, k_w2 = jax.random.split(key, 5)
    x = jax.random.normal(k_x, (N_NODES, 128), dtype=jnp.float32)
    edge_index = jax.random.randint(k_ei, (2, 320000), 0, N_NODES, dtype=jnp.int64)
    degree_set = jax.random.randint(k_deg, (N_NODES,), 0, DEGREE_SET_SIZE, dtype=jnp.int64)
    in1 = 128 + DEGREE_SET_SIZE
    hid = 2 * 128
    out_dim = 128
    W1 = jax.random.normal(k_w1, (in1, hid), dtype=jnp.float32) * (1.0 / np.sqrt(in1))
    b1 = jnp.zeros((hid,), dtype=jnp.float32)
    W2 = jax.random.normal(k_w2, (hid, out_dim), dtype=jnp.float32) * (1.0 / np.sqrt(hid))
    b2 = jnp.zeros((out_dim,), dtype=jnp.float32)
    return {"x": x, "edge_index": edge_index, "degree_set": degree_set,
            "W1": W1, "b1": b1, "W2": W2, "b2": b2}


def reference(x, edge_index, degree_set, W1, b1, W2, b2):
    num_nodes = x.shape[0]
    src, dst = edge_index[0], edge_index[1]
    degree_one_hot = jax.nn.one_hot(degree_set, DEGREE_SET_SIZE, dtype=x.dtype)
    x_with_degree = jnp.concatenate([x, degree_one_hot], axis=1)
    h = gcn_conv(x_with_degree, src, dst, W1, b1, num_nodes)
    h = jax.nn.relu(h)
    out = gcn_conv(h, src, dst, W2, b2, num_nodes)
    return out

if __name__ == "__main__":
    import jax
    _d = setup_inputs()
    print(jax.jit(kernel)(*tuple(_d.values())))

</pallas_src>

<mosaic_0001>
#map = affine_map<(d0, d1) -> (0, 0, 0)>
#map1 = affine_map<(d0, d1) -> (0, 0)>
module attributes {stable_mosaic.version = 14 : i64} {
  func.func @_deg_body(%arg0: i32, %arg1: i32, %arg2: memref<32x79x128xi32, #tpu.memory_space<hbm>>, %arg3: memref<32x10240xf32, #tpu.memory_space<hbm>>, %arg4: memref<79x128xi32, #tpu.memory_space<vmem>>, %arg5: memref<10240xf32, #tpu.memory_space<vmem>>, %arg6: memref<!tpu.dma_semaphore, #tpu.memory_space<semaphore_mem>>) attributes {dimension_semantics = [#tpu.dimension_semantics<core_parallel>, #tpu.dimension_semantics<subcore_parallel>], iteration_bounds = array<i64: 2, 16>, scalar_prefetch = 0 : i64, scratch_operands = 3 : i64, tpu.core_type = #tpu.core_type<sc_vector_subcore>, window_params = [{transform_indices = #map}, {transform_indices = #map1}]} {
    %mul3A = arith.constant 2 : i32
    %mul3A_0 = arith.muli %arg1, %mul3A : i32
    %add3A = arith.addi %mul3A_0, %arg0 : i32
    "tpu.region"() ({
      %run_scoped3A = tpu.sem_alloc : memref<!tpu.dma_semaphore, #tpu.memory_space<semaphore_mem>>
      %dma_start3A = arith.constant 0 : i32
      %dma_start3A_13 = arith.constant 0 : i32
      %dma_start3A_14 = tpu.memref_slice %arg2[%add3A, %dma_start3A, %dma_start3A_13] : memref<32x79x128xi32, #tpu.memory_space<hbm>> -> memref<1x79x128xi32, #tpu.memory_space<hbm>>
      %dma_start3A_15 = tpu.memref_squeeze %dma_start3A_14 : memref<1x79x128xi32, #tpu.memory_space<hbm>> -> memref<79x128xi32, #tpu.memory_space<hbm>>
      %dma_start3A_16 = arith.constant 0 : i32
      %dma_start3A_17 = arith.constant 0 : i32
      %dma_start3A_18 = tpu.memref_slice %arg2[%add3A, %dma_start3A_16, %dma_start3A_17] : memref<32x79x128xi32, #tpu.memory_space<hbm>> -> memref<1x79x128xi32, #tpu.memory_space<hbm>>
      %dma_start3A_19 = tpu.memref_squeeze %dma_start3A_18 : memref<1x79x128xi32, #tpu.memory_space<hbm>> -> memref<79x128xi32, #tpu.memory_space<hbm>>
      tpu.enqueue_dma source(%dma_start3A_19 : memref<79x128xi32, #tpu.memory_space<hbm>>) target(%arg4 : memref<79x128xi32, #tpu.memory_space<vmem>>) target_semaphore(%run_scoped3A : memref<!tpu.dma_semaphore, #tpu.memory_space<semaphore_mem>>)
      %dma_wait3A = arith.constant 0 : i32
      %dma_wait3A_20 = arith.constant 0 : i32
      %dma_wait3A_21 = tpu.memref_slice %arg2[%add3A, %dma_wait3A, %dma_wait3A_20] : memref<32x79x128xi32, #tpu.memory_space<hbm>> -> memref<1x79x128xi32, #tpu.memory_space<hbm>>
      %dma_wait3A_22 = tpu.memref_squeeze %dma_wait3A_21 : memref<1x79x128xi32, #tpu.memory_space<hbm>> -> memref<79x128xi32, #tpu.memory_space<hbm>>
      %dma_wait3A_23 = arith.constant 0 : i32
      %dma_wait3A_24 = arith.constant 0 : i32
      %dma_wait3A_25 = tpu.memref_slice %arg2[%add3A, %dma_wait3A_23, %dma_wait3A_24] : memref<32x79x128xi32, #tpu.memory_space<hbm>> -> memref<1x79x128xi32, #tpu.memory_space<hbm>>
      %dma_wait3A_26 = tpu.memref_squeeze %dma_wait3A_25 : memref<1x79x128xi32, #tpu.memory_space<hbm>> -> memref<79x128xi32, #tpu.memory_space<hbm>>
      tpu.wait_dma2 semaphore(%run_scoped3A : memref<!tpu.dma_semaphore, #tpu.memory_space<semaphore_mem>>) src(%dma_wait3A_26 : memref<79x128xi32, #tpu.memory_space<hbm>>) dst(%arg4 : memref<79x128xi32, #tpu.memory_space<vmem>>)
      tpu.yield
    }) : () -> ()
    %scan3A = arith.constant 0 : i32
    %scan3A_1 = arith.constant 0 : i32
    %scan3A_2 = arith.constant 640 : i32
    %scan3A_3 = arith.addi %scan3A_1, %scan3A_2 : i32
    %scan3A_4 = arith.constant 1 : i32
    scf.for %scan3A_13 = %scan3A_1 to %scan3A_3 step %scan3A_4  : i32 {
      %broadcast_in_dim3A_14 = arith.constant 0.000000e+00 : f32
      %broadcast_in_dim3A_15 = vector.broadcast %broadcast_in_dim3A_14 : f32 to vector<16xf32>
      %mul3A_16 = arith.constant 16 : i32
      %mul3A_17 = arith.muli %scan3A_13, %mul3A_16 : i32
      %swap3A = arith.index_cast %mul3A_17 : i32 to index
      %swap3A_18 = tpu.vector_load %arg5[%swap3A] {strides = array<i32>} : memref<10240xf32, #tpu.memory_space<vmem>>, vector<16xf32>,
      tpu.vector_store %arg5[%swap3A], %broadcast_in_dim3A_15 {strides = array<i32>} : memref<10240xf32, #tpu.memory_space<vmem>>, vector<16xf32>,
    }
    %scan3A_5 = arith.constant 640 : i32
    %broadcast_in_dim3A = arith.constant 1.000000e+00 : f32
    %broadcast_in_dim3A_6 = vector.broadcast %broadcast_in_dim3A : f32 to vector<16xf32>
    %scan3A_7 = arith.constant 0 : i32
    %scan3A_8 = arith.constant 0 : i32
    %scan3A_9 = arith.constant 79 : i32
    %scan3A_10 = arith.addi %scan3A_8, %scan3A_9 : i32
    %scan3A_11 = arith.constant 1 : i32
    scf.for %scan3A_13 = %scan3A_8 to %scan3A_10 step %scan3A_11  : i32 {
      %get3A = arith.index_cast %scan3A_13 : i32 to index
      %get3A_14 = arith.constant 0 : index
      %get3A_15 = tpu.vector_load %arg4[%get3A, %get3A_14] {strides = array<i32>} : memref<79x128xi32, #tpu.memory_space<vmem>>, vector<16xi32>,
      tpu.vector_store_idx %arg5[%get3A_15], %broadcast_in_dim3A_6 {add = true} : memref<10240xf32, #tpu.memory_space<vmem>>[vector<16xi32>], vector<16xf32>,
      %get3A_16 = arith.index_cast %scan3A_13 : i32 to index
      %get3A_17 = arith.constant 16 : index
      %get3A_18 = tpu.vector_load %arg4[%get3A_16, %get3A_17] {strides = array<i32>} : memref<79x128xi32, #tpu.memory_space<vmem>>, vector<16xi32>,
      tpu.vector_store_idx %arg5[%get3A_18], %broadcast_in_dim3A_6 {add = true} : memref<10240xf32, #tpu.memory_space<vmem>>[vector<16xi32>], vector<16xf32>,
      %get3A_19 = arith.index_cast %scan3A_13 : i32 to index
      %get3A_20 = arith.constant 32 : index
      %get3A_21 = tpu.vector_load %arg4[%get3A_19, %get3A_20] {strides = array<i32>} : memref<79x128xi32, #tpu.memory_space<vmem>>, vector<16xi32>,
      tpu.vector_store_idx %arg5[%get3A_21], %broadcast_in_dim3A_6 {add = true} : memref<10240xf32, #tpu.memory_space<vmem>>[vector<16xi32>], vector<16xf32>,
      %get3A_22 = arith.index_cast %scan3A_13 : i32 to index
      %get3A_23 = arith.constant 48 : index
      %get3A_24 = tpu.vector_load %arg4[%get3A_22, %get3A_23] {strides = array<i32>} : memref<79x128xi32, #tpu.memory_space<vmem>>, vector<16xi32>,
      tpu.vector_store_idx %arg5[%get3A_24], %broadcast_in_dim3A_6 {add = true} : memref<10240xf32, #tpu.memory_space<vmem>>[vector<16xi32>], vector<16xf32>,
      %get3A_25 = arith.index_cast %scan3A_13 : i32 to index
      %get3A_26 = arith.constant 64 : index
      %get3A_27 = tpu.vector_load %arg4[%get3A_25, %get3A_26] {strides = array<i32>} : memref<79x128xi32, #tpu.memory_space<vmem>>, vector<16xi32>,
      tpu.vector_store_idx %arg5[%get3A_27], %broadcast_in_dim3A_6 {add = true} : memref<10240xf32, #tpu.memory_space<vmem>>[vector<16xi32>], vector<16xf32>,
      %get3A_28 = arith.index_cast %scan3A_13 : i32 to index
      %get3A_29 = arith.constant 80 : index
      %get3A_30 = tpu.vector_load %arg4[%get3A_28, %get3A_29] {strides = array<i32>} : memref<79x128xi32, #tpu.memory_space<vmem>>, vector<16xi32>,
      tpu.vector_store_idx %arg5[%get3A_30], %broadcast_in_dim3A_6 {add = true} : memref<10240xf32, #tpu.memory_space<vmem>>[vector<16xi32>], vector<16xf32>,
      %get3A_31 = arith.index_cast %scan3A_13 : i32 to index
      %get3A_32 = arith.constant 96 : index
      %get3A_33 = tpu.vector_load %arg4[%get3A_31, %get3A_32] {strides = array<i32>} : memref<79x128xi32, #tpu.memory_space<vmem>>, vector<16xi32>,
      tpu.vector_store_idx %arg5[%get3A_33], %broadcast_in_dim3A_6 {add = true} : memref<10240xf32, #tpu.memory_space<vmem>>[vector<16xi32>], vector<16xf32>,
      %get3A_34 = arith.index_cast %scan3A_13 : i32 to index
      %get3A_35 = arith.constant 112 : index
      %get3A_36 = tpu.vector_load %arg4[%get3A_34, %get3A_35] {strides = array<i32>} : memref<79x128xi32, #tpu.memory_space<vmem>>, vector<16xi32>,
      tpu.vector_store_idx %arg5[%get3A_36], %broadcast_in_dim3A_6 {add = true} : memref<10240xf32, #tpu.memory_space<vmem>>[vector<16xi32>], vector<16xf32>,
    }
    %scan3A_12 = arith.constant 79 : i32
    "tpu.region"() ({
      %run_scoped3A = tpu.sem_alloc : memref<!tpu.dma_semaphore, #tpu.memory_space<semaphore_mem>>
      %dma_start3A = arith.constant 0 : i32
      %dma_start3A_13 = tpu.memref_slice %arg3[%add3A, %dma_start3A] : memref<32x10240xf32, #tpu.memory_space<hbm>> -> memref<1x10240xf32, #tpu.memory_space<hbm>>
      %dma_start3A_14 = tpu.memref_squeeze %dma_start3A_13 : memref<1x10240xf32, #tpu.memory_space<hbm>> -> memref<10240xf32, #tpu.memory_space<hbm>>
      %dma_start3A_15 = arith.constant 0 : i32
      %dma_start3A_16 = tpu.memref_slice %arg3[%add3A, %dma_start3A_15] : memref<32x10240xf32, #tpu.memory_space<hbm>> -> memref<1x10240xf32, #tpu.memory_space<hbm>>
      %dma_start3A_17 = tpu.memref_squeeze %dma_start3A_16 : memref<1x10240xf32, #tpu.memory_space<hbm>> -> memref<10240xf32, #tpu.memory_space<hbm>>
      tpu.enqueue_dma source(%arg5 : memref<10240xf32, #tpu.memory_space<vmem>>) target(%dma_start3A_17 : memref<10240xf32, #tpu.memory_space<hbm>>) target_semaphore(%run_scoped3A : memref<!tpu.dma_semaphore, #tpu.memory_space<semaphore_mem>>)
      %dma_wait3A = arith.constant 0 : i32
      %dma_wait3A_18 = tpu.memref_slice %arg3[%add3A, %dma_wait3A] : memref<32x10240xf32, #tpu.memory_space<hbm>> -> memref<1x10240xf32, #tpu.memory_space<hbm>>
      %dma_wait3A_19 = tpu.memref_squeeze %dma_wait3A_18 : memref<1x10240xf32, #tpu.memory_space<hbm>> -> memref<10240xf32, #tpu.memory_space<hbm>>
      %dma_wait3A_20 = arith.constant 0 : i32
      %dma_wait3A_21 = tpu.memref_slice %arg3[%add3A, %dma_wait3A_20] : memref<32x10240xf32, #tpu.memory_space<hbm>> -> memref<1x10240xf32, #tpu.memory_space<hbm>>
      %dma_wait3A_22 = tpu.memref_squeeze %dma_wait3A_21 : memref<1x10240xf32, #tpu.memory_space<hbm>> -> memref<10240xf32, #tpu.memory_space<hbm>>
      tpu.wait_dma2 semaphore(%run_scoped3A : memref<!tpu.dma_semaphore, #tpu.memory_space<semaphore_mem>>) src(%arg5 : memref<10240xf32, #tpu.memory_space<vmem>>) dst(%dma_wait3A_22 : memref<10240xf32, #tpu.memory_space<hbm>>)
      tpu.yield
    }) : () -> ()
    return
  }
}

#map = affine_map<(d0, d1) -> (0, 0)>
#map1 = affine_map<(d0, d1) -> (0, 0, 0)>
module attributes {stable_mosaic.version = 14 : i64} {
  func.func @_spmm_l2_body(%arg0: i32, %arg1: i32, %arg2: memref<10240x128xf32, #tpu.memory_space<hbm>>, %arg3: memref<32x79x128xi32, #tpu.memory_space<hbm>>, %arg4: memref<32x79x128xi32, #tpu.memory_space<hbm>>, %arg5: memref<2x10240x128xf32, #tpu.memory_space<hbm>>, %arg6: memref<79x128xi32, #tpu.memory_space<vmem>>, %arg7: memref<79x128xi32, #tpu.memory_space<vmem>>, %arg8: memref<128x128xf32, #tpu.memory_space<vmem>>, %arg9: memref<10240x128xf32, #tpu.memory_space<vmem_shared>>, %arg10: memref<!tpu.dma_semaphore, #tpu.memory_space<semaphore_mem>>) attributes {dimension_semantics = [#tpu.dimension_semantics<core_parallel>, #tpu.dimension_semantics<subcore_parallel>], iteration_bounds = array<i64: 2, 16>, scalar_prefetch = 0 : i64, scratch_operands = 5 : i64, tpu.core_type = #tpu.core_type<sc_vector_subcore>, window_params = [{transform_indices = #map}, {transform_indices = #map1}, {transform_indices = #map1}, {transform_indices = #map1}]} {
    %mul3A = arith.constant 640 : i32
    %mul3A_0 = arith.muli %arg1, %mul3A : i32
    "tpu.region"() ({
      %run_scoped3A = tpu.sem_alloc : memref<!tpu.dma_semaphore, #tpu.memory_space<semaphore_mem>>
      %dma_start3A = arith.constant 0 : i32
      %dma_start3A_9 = tpu.memref_slice %arg9[%mul3A_0, %dma_start3A] : memref<10240x128xf32, #tpu.memory_space<vmem_shared>> -> memref<640x128xf32, #tpu.memory_space<vmem_shared>>
      %dma_start3A_10 = arith.constant 0 : i32
      %dma_start3A_11 = tpu.memref_slice %arg2[%mul3A_0, %dma_start3A_10] : memref<10240x128xf32, #tpu.memory_space<hbm>> -> memref<640x128xf32, #tpu.memory_space<hbm>>
      tpu.enqueue_dma source(%dma_start3A_11 : memref<640x128xf32, #tpu.memory_space<hbm>>) target(%dma_start3A_9 : memref<640x128xf32, #tpu.memory_space<vmem_shared>>) target_semaphore(%run_scoped3A : memref<!tpu.dma_semaphore, #tpu.memory_space<semaphore_mem>>)
      %dma_wait3A = arith.constant 0 : i32
      %dma_wait3A_12 = tpu.memref_slice %arg9[%mul3A_0, %dma_wait3A] : memref<10240x128xf32, #tpu.memory_space<vmem_shared>> -> memref<640x128xf32, #tpu.memory_space<vmem_shared>>
      %dma_wait3A_13 = arith.constant 0 : i32
      %dma_wait3A_14 = tpu.memref_slice %arg2[%mul3A_0, %dma_wait3A_13] : memref<10240x128xf32, #tpu.memory_space<hbm>> -> memref<640x128xf32, #tpu.memory_space<hbm>>
      tpu.wait_dma2 semaphore(%run_scoped3A : memref<!tpu.dma_semaphore, #tpu.memory_space<semaphore_mem>>) src(%dma_wait3A_14 : memref<640x128xf32, #tpu.memory_space<hbm>>) dst(%dma_wait3A_12 : memref<640x128xf32, #tpu.memory_space<vmem_shared>>)
      tpu.yield
    }) : () -> ()
    %barrier3A = arith.constant 0 : index
    tpu.barrier barrier_id(%barrier3A)
    %mul3A_1 = arith.constant 16 : i32
    %mul3A_2 = arith.muli %arg0, %mul3A_1 : i32
    %add3A = arith.addi %mul3A_2, %arg1 : i32
    "tpu.region"() ({
      %run_scoped3A = tpu.sem_alloc : memref<!tpu.dma_semaphore, #tpu.memory_space<semaphore_mem>>
      %dma_start3A = arith.constant 0 : i32
      %dma_start3A_9 = arith.constant 0 : i32
      %dma_start3A_10 = tpu.memref_slice %arg3[%add3A, %dma_start3A, %dma_start3A_9] : memref<32x79x128xi32, #tpu.memory_space<hbm>> -> memref<1x79x128xi32, #tpu.memory_space<hbm>>
      %dma_start3A_11 = tpu.memref_squeeze %dma_start3A_10 : memref<1x79x128xi32, #tpu.memory_space<hbm>> -> memref<79x128xi32, #tpu.memory_space<hbm>>
      %dma_start3A_12 = arith.constant 0 : i32
      %dma_start3A_13 = arith.constant 0 : i32
      %dma_start3A_14 = tpu.memref_slice %arg3[%add3A, %dma_start3A_12, %dma_start3A_13] : memref<32x79x128xi32, #tpu.memory_space<hbm>> -> memref<1x79x128xi32, #tpu.memory_space<hbm>>
      %dma_start3A_15 = tpu.memref_squeeze %dma_start3A_14 : memref<1x79x128xi32, #tpu.memory_space<hbm>> -> memref<79x128xi32, #tpu.memory_space<hbm>>
      tpu.enqueue_dma source(%dma_start3A_15 : memref<79x128xi32, #tpu.memory_space<hbm>>) target(%arg6 : memref<79x128xi32, #tpu.memory_space<vmem>>) target_semaphore(%run_scoped3A : memref<!tpu.dma_semaphore, #tpu.memory_space<semaphore_mem>>)
      %dma_wait3A = arith.constant 0 : i32
      %dma_wait3A_16 = arith.constant 0 : i32
      %dma_wait3A_17 = tpu.memref_slice %arg3[%add3A, %dma_wait3A, %dma_wait3A_16] : memref<32x79x128xi32, #tpu.memory_space<hbm>> -> memref<1x79x128xi32, #tpu.memory_space<hbm>>
      %dma_wait3A_18 = tpu.memref_squeeze %dma_wait3A_17 : memref<1x79x128xi32, #tpu.memory_space<hbm>> -> memref<79x128xi32, #tpu.memory_space<hbm>>
      %dma_wait3A_19 = arith.constant 0 : i32
      %dma_wait3A_20 = arith.constant 0 : i32
      %dma_wait3A_21 = tpu.memref_slice %arg3[%add3A, %dma_wait3A_19, %dma_wait3A_20] : memref<32x79x128xi32, #tpu.memory_space<hbm>> -> memref<1x79x128xi32, #tpu.memory_space<hbm>>
      %dma_wait3A_22 = tpu.memref_squeeze %dma_wait3A_21 : memref<1x79x128xi32, #tpu.memory_space<hbm>> -> memref<79x128xi32, #tpu.memory_space<hbm>>
      tpu.wait_dma2 semaphore(%run_scoped3A : memref<!tpu.dma_semaphore, #tpu.memory_space<semaphore_mem>>) src(%dma_wait3A_22 : memref<79x128xi32, #tpu.memory_space<hbm>>) dst(%arg6 : memref<79x128xi32, #tpu.memory_space<vmem>>)
      tpu.yield
    }) : () -> ()
    "tpu.region"() ({
      %run_scoped3A = tpu.sem_alloc : memref<!tpu.dma_semaphore, #tpu.memory_space<semaphore_mem>>
      %dma_start3A = arith.constant 0 : i32
      %dma_start3A_9 = arith.constant 0 : i32
      %dma_start3A_10 = tpu.memref_slice %arg4[%add3A, %dma_start3A, %dma_start3A_9] : memref<32x79x128xi32, #tpu.memory_space<hbm>> -> memref<1x79x128xi32, #tpu.memory_space<hbm>>
      %dma_start3A_11 = tpu.memref_squeeze %dma_start3A_10 : memref<1x79x128xi32, #tpu.memory_space<hbm>> -> memref<79x128xi32, #tpu.memory_space<hbm>>
      %dma_start3A_12 = arith.constant 0 : i32
      %dma_start3A_13 = arith.constant 0 : i32
      %dma_start3A_14 = tpu.memref_slice %arg4[%add3A, %dma_start3A_12, %dma_start3A_13] : memref<32x79x128xi32, #tpu.memory_space<hbm>> -> memref<1x79x128xi32, #tpu.memory_space<hbm>>
      %dma_start3A_15 = tpu.memref_squeeze %dma_start3A_14 : memref<1x79x128xi32, #tpu.memory_space<hbm>> -> memref<79x128xi32, #tpu.memory_space<hbm>>
      tpu.enqueue_dma source(%dma_start3A_15 : memref<79x128xi32, #tpu.memory_space<hbm>>) target(%arg7 : memref<79x128xi32, #tpu.memory_space<vmem>>) target_semaphore(%run_scoped3A : memref<!tpu.dma_semaphore, #tpu.memory_space<semaphore_mem>>)
      %dma_wait3A = arith.constant 0 : i32
      %dma_wait3A_16 = arith.constant 0 : i32
      %dma_wait3A_17 = tpu.memref_slice %arg4[%add3A, %dma_wait3A, %dma_wait3A_16] : memref<32x79x128xi32, #tpu.memory_space<hbm>> -> memref<1x79x128xi32, #tpu.memory_space<hbm>>
      %dma_wait3A_18 = tpu.memref_squeeze %dma_wait3A_17 : memref<1x79x128xi32, #tpu.memory_space<hbm>> -> memref<79x128xi32, #tpu.memory_space<hbm>>
      %dma_wait3A_19 = arith.constant 0 : i32
      %dma_wait3A_20 = arith.constant 0 : i32
      %dma_wait3A_21 = tpu.memref_slice %arg4[%add3A, %dma_wait3A_19, %dma_wait3A_20] : memref<32x79x128xi32, #tpu.memory_space<hbm>> -> memref<1x79x128xi32, #tpu.memory_space<hbm>>
      %dma_wait3A_22 = tpu.memref_squeeze %dma_wait3A_21 : memref<1x79x128xi32, #tpu.memory_space<hbm>> -> memref<79x128xi32, #tpu.memory_space<hbm>>
      tpu.wait_dma2 semaphore(%run_scoped3A : memref<!tpu.dma_semaphore, #tpu.memory_space<semaphore_mem>>) src(%dma_wait3A_22 : memref<79x128xi32, #tpu.memory_space<hbm>>) dst(%arg7 : memref<79x128xi32, #tpu.memory_space<vmem>>)
      tpu.yield
    }) : () -> ()
    %scan3A = arith.constant 0 : i32
    %scan3A_3 = arith.constant 0 : i32
    %scan3A_4 = arith.constant 79 : i32
    %scan3A_5 = arith.addi %scan3A_3, %scan3A_4 : i32
    %scan3A_6 = arith.constant 1 : i32
    scf.for %scan3A_9 = %scan3A_3 to %scan3A_5 step %scan3A_6  : i32 {
      %dma_start3A = arith.constant 0 : i32
      %dma_start3A_10 = tpu.memref_slice %arg6[%scan3A_9, %dma_start3A] : memref<79x128xi32, #tpu.memory_space<vmem>> -> memref<1x128xi32, #tpu.memory_space<vmem>>
      %dma_start3A_11 = tpu.memref_squeeze %dma_start3A_10 : memref<1x128xi32, #tpu.memory_space<vmem>> -> memref<128xi32, #tpu.memory_space<vmem>>
      %dma_start3A_12 = arith.constant 0 : i32
      %dma_start3A_13 = arith.constant 0 : i32
      %dma_start3A_14 = tpu.memref_slice %arg2[%dma_start3A_12, %dma_start3A_13] : memref<10240x128xf32, #tpu.memory_space<hbm>> -> memref<10240x128xf32, #tpu.memory_space<hbm>>
      tpu.enqueue_indirect_dma source(%dma_start3A_14 : memref<10240x128xf32, #tpu.memory_space<hbm>>) target(%arg8 : memref<128x128xf32, #tpu.memory_space<vmem>>) offsets(%dma_start3A_11 : memref<128xi32, #tpu.memory_space<vmem>>) semaphore(%arg10 : memref<!tpu.dma_semaphore, #tpu.memory_space<semaphore_mem>>)
      %dma_wait3A = arith.constant 0 : i32
      %dma_wait3A_15 = tpu.memref_slice %arg6[%scan3A_9, %dma_wait3A] : memref<79x128xi32, #tpu.memory_space<vmem>> -> memref<1x128xi32, #tpu.memory_space<vmem>>
      %dma_wait3A_16 = tpu.memref_squeeze %dma_wait3A_15 : memref<1x128xi32, #tpu.memory_space<vmem>> -> memref<128xi32, #tpu.memory_space<vmem>>
      %dma_wait3A_17 = arith.constant 0 : i32
      %dma_wait3A_18 = arith.constant 0 : i32
      %dma_wait3A_19 = tpu.memref_slice %arg2[%dma_wait3A_17, %dma_wait3A_18] : memref<10240x128xf32, #tpu.memory_space<hbm>> -> memref<10240x128xf32, #tpu.memory_space<hbm>>
      tpu.wait_indirect_dma semaphore(%arg10 : memref<!tpu.dma_semaphore, #tpu.memory_space<semaphore_mem>>) src(%dma_wait3A_19 : memref<10240x128xf32, #tpu.memory_space<hbm>>) dst(%arg8 : memref<128x128xf32, #tpu.memory_space<vmem>>)
      "tpu.region"() ({
        %run_scoped3A = tpu.sem_alloc : memref<!tpu.dma_semaphore, #tpu.memory_space<semaphore_mem>>
        %dma_start3A_20 = arith.constant 0 : i32
        %dma_start3A_21 = tpu.memref_slice %arg7[%scan3A_9, %dma_start3A_20] : memref<79x128xi32, #tpu.memory_space<vmem>> -> memref<1x128xi32, #tpu.memory_space<vmem>>
        %dma_start3A_22 = tpu.memref_squeeze %dma_start3A_21 : memref<1x128xi32, #tpu.memory_space<vmem>> -> memref<128xi32, #tpu.memory_space<vmem>>
        %dma_start3A_23 = arith.constant 0 : i32
        %dma_start3A_24 = arith.constant 0 : i32
        %dma_start3A_25 = tpu.memref_slice %arg9[%dma_start3A_23, %dma_start3A_24] : memref<10240x128xf32, #tpu.memory_space<vmem_shared>> -> memref<10240x128xf32, #tpu.memory_space<vmem_shared>>
        tpu.enqueue_indirect_dma source(%arg8 : memref<128x128xf32, #tpu.memory_space<vmem>>) target(%dma_start3A_25 : memref<10240x128xf32, #tpu.memory_space<vmem_shared>>) offsets(%dma_start3A_22 : memref<128xi32, #tpu.memory_space<vmem>>) semaphore(%run_scoped3A : memref<!tpu.dma_semaphore, #tpu.memory_space<semaphore_mem>>) {add = true}
        %dma_wait3A_26 = arith.constant 0 : i32
        %dma_wait3A_27 = tpu.memref_slice %arg7[%scan3A_9, %dma_wait3A_26] : memref<79x128xi32, #tpu.memory_space<vmem>> -> memref<1x128xi32, #tpu.memory_space<vmem>>
        %dma_wait3A_28 = tpu.memref_squeeze %dma_wait3A_27 : memref<1x128xi32, #tpu.memory_space<vmem>> -> memref<128xi32, #tpu.memory_space<vmem>>
        %dma_wait3A_29 = arith.constant 0 : i32
        %dma_wait3A_30 = arith.constant 0 : i32
        %dma_wait3A_31 = tpu.memref_slice %arg9[%dma_wait3A_29, %dma_wait3A_30] : memref<10240x128xf32, #tpu.memory_space<vmem_shared>> -> memref<10240x128xf32, #tpu.memory_space<vmem_shared>>
        tpu.wait_indirect_dma semaphore(%run_scoped3A : memref<!tpu.dma_semaphore, #tpu.memory_space<semaphore_mem>>) src(%arg8 : memref<128x128xf32, #tpu.memory_space<vmem>>) dst(%dma_wait3A_31 : memref<10240x128xf32, #tpu.memory_space<vmem_shared>>)
        tpu.yield
      }) : () -> ()
    }
    %scan3A_7 = arith.constant 79 : i32
    %barrier3A_8 = arith.constant 0 : index
    tpu.barrier barrier_id(%barrier3A_8)
    "tpu.region"() ({
      %run_scoped3A = tpu.sem_alloc : memref<!tpu.dma_semaphore, #tpu.memory_space<semaphore_mem>>
      %dma_start3A = arith.constant 0 : i32
      %dma_start3A_9 = tpu.memref_slice %arg5[%arg0, %mul3A_0, %dma_start3A] : memref<2x10240x128xf32, #tpu.memory_space<hbm>> -> memref<1x640x128xf32, #tpu.memory_space<hbm>>
      %dma_start3A_10 = tpu.memref_squeeze %dma_start3A_9 : memref<1x640x128xf32, #tpu.memory_space<hbm>> -> memref<640x128xf32, #tpu.memory_space<hbm>>
      %dma_start3A_11 = arith.constant 0 : i32
      %dma_start3A_12 = tpu.memref_slice %arg9[%mul3A_0, %dma_start3A_11] : memref<10240x128xf32, #tpu.memory_space<vmem_shared>> -> memref<640x128xf32, #tpu.memory_space<vmem_shared>>
      tpu.enqueue_dma source(%dma_start3A_12 : memref<640x128xf32, #tpu.memory_space<vmem_shared>>) target(%dma_start3A_10 : memref<640x128xf32, #tpu.memory_space<hbm>>) target_semaphore(%run_scoped3A : memref<!tpu.dma_semaphore, #tpu.memory_space<semaphore_mem>>)
      %dma_wait3A = arith.constant 0 : i32
      %dma_wait3A_13 = tpu.memref_slice %arg5[%arg0, %mul3A_0, %dma_wait3A] : memref<2x10240x128xf32, #tpu.memory_space<hbm>> -> memref<1x640x128xf32, #tpu.memory_space<hbm>>
      %dma_wait3A_14 = tpu.memref_squeeze %dma_wait3A_13 : memref<1x640x128xf32, #tpu.memory_space<hbm>> -> memref<640x128xf32, #tpu.memory_space<hbm>>
      %dma_wait3A_15 = arith.constant 0 : i32
      %dma_wait3A_16 = tpu.memref_slice %arg9[%mul3A_0, %dma_wait3A_15] : memref<10240x128xf32, #tpu.memory_space<vmem_shared>> -> memref<640x128xf32, #tpu.memory_space<vmem_shared>>
      tpu.wait_dma2 semaphore(%run_scoped3A : memref<!tpu.dma_semaphore, #tpu.memory_space<semaphore_mem>>) src(%dma_wait3A_16 : memref<640x128xf32, #tpu.memory_space<vmem_shared>>) dst(%dma_wait3A_14 : memref<640x128xf32, #tpu.memory_space<hbm>>)
      tpu.yield
    }) : () -> ()
    return
  }
}

#map = affine_map<(d0, d1) -> (0, 0)>
#map1 = affine_map<(d0, d1) -> (0, 0, 0, 0)>
#map2 = affine_map<(d0, d1) -> (0, 0, 0)>
module attributes {stable_mosaic.version = 14 : i64} {
  func.func @_spmm_l1_body(%arg0: i32, %arg1: i32, %arg2: memref<20480x128xf32, #tpu.memory_space<hbm>>, %arg3: memref<2x32x79x128xi32, #tpu.memory_space<hbm>>, %arg4: memref<32x79x128xi32, #tpu.memory_space<hbm>>, %arg5: memref<20480x128xf32, #tpu.memory_space<hbm>>, %arg6: memref<79x128xi32, #tpu.memory_space<vmem>>, %arg7: memref<79x128xi32, #tpu.memory_space<vmem>>, %arg8: memref<128x128xf32, #tpu.memory_space<vmem>>, %arg9: memref<10240x128xf32, #tpu.memory_space<vmem_shared>>, %arg10: memref<!tpu.dma_semaphore, #tpu.memory_space<semaphore_mem>>) attributes {dimension_semantics = [#tpu.dimension_semantics<core_parallel>, #tpu.dimension_semantics<subcore_parallel>], iteration_bounds = array<i64: 2, 16>, scalar_prefetch = 0 : i64, scratch_operands = 5 : i64, tpu.core_type = #tpu.core_type<sc_vector_subcore>, window_params = [{transform_indices = #map}, {transform_indices = #map1}, {transform_indices = #map2}, {transform_indices = #map}]} {
    %mul3A = arith.constant 640 : i32
    %mul3A_0 = arith.muli %arg1, %mul3A : i32
    %mul3A_1 = arith.constant 10240 : i32
    %mul3A_2 = arith.muli %arg0, %mul3A_1 : i32
    %add3A = arith.addi %mul3A_2, %mul3A_0 : i32
    "tpu.region"() ({
      %run_scoped3A = tpu.sem_alloc : memref<!tpu.dma_semaphore, #tpu.memory_space<semaphore_mem>>
      %dma_start3A = arith.constant 0 : i32
      %dma_start3A_20 = tpu.memref_slice %arg9[%mul3A_0, %dma_start3A] : memref<10240x128xf32, #tpu.memory_space<vmem_shared>> -> memref<640x128xf32, #tpu.memory_space<vmem_shared>>
      %dma_start3A_21 = arith.constant 0 : i32
      %dma_start3A_22 = tpu.memref_slice %arg2[%add3A, %dma_start3A_21] : memref<20480x128xf32, #tpu.memory_space<hbm>> -> memref<640x128xf32, #tpu.memory_space<hbm>>
      tpu.enqueue_dma source(%dma_start3A_22 : memref<640x128xf32, #tpu.memory_space<hbm>>) target(%dma_start3A_20 : memref<640x128xf32, #tpu.memory_space<vmem_shared>>) target_semaphore(%run_scoped3A : memref<!tpu.dma_semaphore, #tpu.memory_space<semaphore_mem>>)
      %dma_wait3A = arith.constant 0 : i32
      %dma_wait3A_23 = tpu.memref_slice %arg9[%mul3A_0, %dma_wait3A] : memref<10240x128xf32, #tpu.memory_space<vmem_shared>> -> memref<640x128xf32, #tpu.memory_space<vmem_shared>>
      %dma_wait3A_24 = arith.constant 0 : i32
      %dma_wait3A_25 = tpu.memref_slice %arg2[%add3A, %dma_wait3A_24] : memref<20480x128xf32, #tpu.memory_space<hbm>> -> memref<640x128xf32, #tpu.memory_space<hbm>>
      tpu.wait_dma2 semaphore(%run_scoped3A : memref<!tpu.dma_semaphore, #tpu.memory_space<semaphore_mem>>) src(%dma_wait3A_25 : memref<640x128xf32, #tpu.memory_space<hbm>>) dst(%dma_wait3A_23 : memref<640x128xf32, #tpu.memory_space<vmem_shared>>)
      tpu.yield
    }) : () -> ()
    %barrier3A = arith.constant 0 : index
    tpu.barrier barrier_id(%barrier3A)
    "tpu.region"() ({
      %run_scoped3A = tpu.sem_alloc : memref<!tpu.dma_semaphore, #tpu.memory_space<semaphore_mem>>
      %dma_start3A = arith.constant 0 : i32
      %dma_start3A_20 = arith.constant 0 : i32
      %dma_start3A_21 = tpu.memref_slice %arg3[%arg0, %arg1, %dma_start3A, %dma_start3A_20] : memref<2x32x79x128xi32, #tpu.memory_space<hbm>> -> memref<1x1x79x128xi32, #tpu.memory_space<hbm>>
      %dma_start3A_22 = tpu.memref_squeeze %dma_start3A_21 : memref<1x1x79x128xi32, #tpu.memory_space<hbm>> -> memref<79x128xi32, #tpu.memory_space<hbm>>
      %dma_start3A_23 = arith.constant 0 : i32
      %dma_start3A_24 = arith.constant 0 : i32
      %dma_start3A_25 = tpu.memref_slice %arg3[%arg0, %arg1, %dma_start3A_23, %dma_start3A_24] : memref<2x32x79x128xi32, #tpu.memory_space<hbm>> -> memref<1x1x79x128xi32, #tpu.memory_space<hbm>>
      %dma_start3A_26 = tpu.memref_squeeze %dma_start3A_25 : memref<1x1x79x128xi32, #tpu.memory_space<hbm>> -> memref<79x128xi32, #tpu.memory_space<hbm>>
      tpu.enqueue_dma source(%dma_start3A_26 : memref<79x128xi32, #tpu.memory_space<hbm>>) target(%arg6 : memref<79x128xi32, #tpu.memory_space<vmem>>) target_semaphore(%run_scoped3A : memref<!tpu.dma_semaphore, #tpu.memory_space<semaphore_mem>>)
      %dma_wait3A = arith.constant 0 : i32
      %dma_wait3A_27 = arith.constant 0 : i32
      %dma_wait3A_28 = tpu.memref_slice %arg3[%arg0, %arg1, %dma_wait3A, %dma_wait3A_27] : memref<2x32x79x128xi32, #tpu.memory_space<hbm>> -> memref<1x1x79x128xi32, #tpu.memory_space<hbm>>
      %dma_wait3A_29 = tpu.memref_squeeze %dma_wait3A_28 : memref<1x1x79x128xi32, #tpu.memory_space<hbm>> -> memref<79x128xi32, #tpu.memory_space<hbm>>
      %dma_wait3A_30 = arith.constant 0 : i32
      %dma_wait3A_31 = arith.constant 0 : i32
      %dma_wait3A_32 = tpu.memref_slice %arg3[%arg0, %arg1, %dma_wait3A_30, %dma_wait3A_31] : memref<2x32x79x128xi32, #tpu.memory_space<hbm>> -> memref<1x1x79x128xi32, #tpu.memory_space<hbm>>
      %dma_wait3A_33 = tpu.memref_squeeze %dma_wait3A_32 : memref<1x1x79x128xi32, #tpu.memory_space<hbm>> -> memref<79x128xi32, #tpu.memory_space<hbm>>
      tpu.wait_dma2 semaphore(%run_scoped3A : memref<!tpu.dma_semaphore, #tpu.memory_space<semaphore_mem>>) src(%dma_wait3A_33 : memref<79x128xi32, #tpu.memory_space<hbm>>) dst(%arg6 : memref<79x128xi32, #tpu.memory_space<vmem>>)
      tpu.yield
    }) : () -> ()
    "tpu.region"() ({
      %run_scoped3A = tpu.sem_alloc : memref<!tpu.dma_semaphore, #tpu.memory_space<semaphore_mem>>
      %dma_start3A = arith.constant 0 : i32
      %dma_start3A_20 = arith.constant 0 : i32
      %dma_start3A_21 = tpu.memref_slice %arg4[%arg1, %dma_start3A, %dma_start3A_20] : memref<32x79x128xi32, #tpu.memory_space<hbm>> -> memref<1x79x128xi32, #tpu.memory_space<hbm>>
      %dma_start3A_22 = tpu.memref_squeeze %dma_start3A_21 : memref<1x79x128xi32, #tpu.memory_space<hbm>> -> memref<79x128xi32, #tpu.memory_space<hbm>>
      %dma_start3A_23 = arith.constant 0 : i32
      %dma_start3A_24 = arith.constant 0 : i32
      %dma_start3A_25 = tpu.memref_slice %arg4[%arg1, %dma_start3A_23, %dma_start3A_24] : memref<32x79x128xi32, #tpu.memory_space<hbm>> -> memref<1x79x128xi32, #tpu.memory_space<hbm>>
      %dma_start3A_26 = tpu.memref_squeeze %dma_start3A_25 : memref<1x79x128xi32, #tpu.memory_space<hbm>> -> memref<79x128xi32, #tpu.memory_space<hbm>>
      tpu.enqueue_dma source(%dma_start3A_26 : memref<79x128xi32, #tpu.memory_space<hbm>>) target(%arg7 : memref<79x128xi32, #tpu.memory_space<vmem>>) target_semaphore(%run_scoped3A : memref<!tpu.dma_semaphore, #tpu.memory_space<semaphore_mem>>)
      %dma_wait3A = arith.constant 0 : i32
      %dma_wait3A_27 = arith.constant 0 : i32
      %dma_wait3A_28 = tpu.memref_slice %arg4[%arg1, %dma_wait3A, %dma_wait3A_27] : memref<32x79x128xi32, #tpu.memory_space<hbm>> -> memref<1x79x128xi32, #tpu.memory_space<hbm>>
      %dma_wait3A_29 = tpu.memref_squeeze %dma_wait3A_28 : memref<1x79x128xi32, #tpu.memory_space<hbm>> -> memref<79x128xi32, #tpu.memory_space<hbm>>
      %dma_wait3A_30 = arith.constant 0 : i32
      %dma_wait3A_31 = arith.constant 0 : i32
      %dma_wait3A_32 = tpu.memref_slice %arg4[%arg1, %dma_wait3A_30, %dma_wait3A_31] : memref<32x79x128xi32, #tpu.memory_space<hbm>> -> memref<1x79x128xi32, #tpu.memory_space<hbm>>
      %dma_wait3A_33 = tpu.memref_squeeze %dma_wait3A_32 : memref<1x79x128xi32, #tpu.memory_space<hbm>> -> memref<79x128xi32, #tpu.memory_space<hbm>>
      tpu.wait_dma2 semaphore(%run_scoped3A : memref<!tpu.dma_semaphore, #tpu.memory_space<semaphore_mem>>) src(%dma_wait3A_33 : memref<79x128xi32, #tpu.memory_space<hbm>>) dst(%arg7 : memref<79x128xi32, #tpu.memory_space<vmem>>)
      tpu.yield
    }) : () -> ()
    %scan3A = arith.constant 0 : i32
    %scan3A_3 = arith.constant 0 : i32
    %scan3A_4 = arith.constant 79 : i32
    %scan3A_5 = arith.addi %scan3A_3, %scan3A_4 : i32
    %scan3A_6 = arith.constant 1 : i32
    scf.for %scan3A_20 = %scan3A_3 to %scan3A_5 step %scan3A_6  : i32 {
      %dma_start3A = arith.constant 0 : i32
      %dma_start3A_21 = tpu.memref_slice %arg6[%scan3A_20, %dma_start3A] : memref<79x128xi32, #tpu.memory_space<vmem>> -> memref<1x128xi32, #tpu.memory_space<vmem>>
      %dma_start3A_22 = tpu.memref_squeeze %dma_start3A_21 : memref<1x128xi32, #tpu.memory_space<vmem>> -> memref<128xi32, #tpu.memory_space<vmem>>
      %dma_start3A_23 = arith.constant 0 : i32
      %dma_start3A_24 = arith.constant 0 : i32
      %dma_start3A_25 = tpu.memref_slice %arg2[%dma_start3A_23, %dma_start3A_24] : memref<20480x128xf32, #tpu.memory_space<hbm>> -> memref<20480x128xf32, #tpu.memory_space<hbm>>
      tpu.enqueue_indirect_dma source(%dma_start3A_25 : memref<20480x128xf32, #tpu.memory_space<hbm>>) target(%arg8 : memref<128x128xf32, #tpu.memory_space<vmem>>) offsets(%dma_start3A_22 : memref<128xi32, #tpu.memory_space<vmem>>) semaphore(%arg10 : memref<!tpu.dma_semaphore, #tpu.memory_space<semaphore_mem>>)
      %dma_wait3A = arith.constant 0 : i32
      %dma_wait3A_26 = tpu.memref_slice %arg6[%scan3A_20, %dma_wait3A] : memref<79x128xi32, #tpu.memory_space<vmem>> -> memref<1x128xi32, #tpu.memory_space<vmem>>
      %dma_wait3A_27 = tpu.memref_squeeze %dma_wait3A_26 : memref<1x128xi32, #tpu.memory_space<vmem>> -> memref<128xi32, #tpu.memory_space<vmem>>
      %dma_wait3A_28 = arith.constant 0 : i32
      %dma_wait3A_29 = arith.constant 0 : i32
      %dma_wait3A_30 = tpu.memref_slice %arg2[%dma_wait3A_28, %dma_wait3A_29] : memref<20480x128xf32, #tpu.memory_space<hbm>> -> memref<20480x128xf32, #tpu.memory_space<hbm>>
      tpu.wait_indirect_dma semaphore(%arg10 : memref<!tpu.dma_semaphore, #tpu.memory_space<semaphore_mem>>) src(%dma_wait3A_30 : memref<20480x128xf32, #tpu.memory_space<hbm>>) dst(%arg8 : memref<128x128xf32, #tpu.memory_space<vmem>>)
      "tpu.region"() ({
        %run_scoped3A = tpu.sem_alloc : memref<!tpu.dma_semaphore, #tpu.memory_space<semaphore_mem>>
        %dma_start3A_31 = arith.constant 0 : i32
        %dma_start3A_32 = tpu.memref_slice %arg7[%scan3A_20, %dma_start3A_31] : memref<79x128xi32, #tpu.memory_space<vmem>> -> memref<1x128xi32, #tpu.memory_space<vmem>>
        %dma_start3A_33 = tpu.memref_squeeze %dma_start3A_32 : memref<1x128xi32, #tpu.memory_space<vmem>> -> memref<128xi32, #tpu.memory_space<vmem>>
        %dma_start3A_34 = arith.constant 0 : i32
        %dma_start3A_35 = arith.constant 0 : i32
        %dma_start3A_36 = tpu.memref_slice %arg9[%dma_start3A_34, %dma_start3A_35] : memref<10240x128xf32, #tpu.memory_space<vmem_shared>> -> memref<10240x128xf32, #tpu.memory_space<vmem_shared>>
        tpu.enqueue_indirect_dma source(%arg8 : memref<128x128xf32, #tpu.memory_space<vmem>>) target(%dma_start3A_36 : memref<10240x128xf32, #tpu.memory_space<vmem_shared>>) offsets(%dma_start3A_33 : memref<128xi32, #tpu.memory_space<vmem>>) semaphore(%run_scoped3A : memref<!tpu.dma_semaphore, #tpu.memory_space<semaphore_mem>>) {add = true}
        %dma_wait3A_37 = arith.constant 0 : i32
        %dma_wait3A_38 = tpu.memref_slice %arg7[%scan3A_20, %dma_wait3A_37] : memref<79x128xi32, #tpu.memory_space<vmem>> -> memref<1x128xi32, #tpu.memory_space<vmem>>
        %dma_wait3A_39 = tpu.memref_squeeze %dma_wait3A_38 : memref<1x128xi32, #tpu.memory_space<vmem>> -> memref<128xi32, #tpu.memory_space<vmem>>
        %dma_wait3A_40 = arith.constant 0 : i32
        %dma_wait3A_41 = arith.constant 0 : i32
        %dma_wait3A_42 = tpu.memref_slice %arg9[%dma_wait3A_40, %dma_wait3A_41] : memref<10240x128xf32, #tpu.memory_space<vmem_shared>> -> memref<10240x128xf32, #tpu.memory_space<vmem_shared>>
        tpu.wait_indirect_dma semaphore(%run_scoped3A : memref<!tpu.dma_semaphore, #tpu.memory_space<semaphore_mem>>) src(%arg8 : memref<128x128xf32, #tpu.memory_space<vmem>>) dst(%dma_wait3A_42 : memref<10240x128xf32, #tpu.memory_space<vmem_shared>>)
        tpu.yield
      }) : () -> ()
    }
    %scan3A_7 = arith.constant 79 : i32
    %add3A_8 = arith.constant 16 : i32
    %add3A_9 = arith.addi %arg1, %add3A_8 : i32
    "tpu.region"() ({
      %run_scoped3A = tpu.sem_alloc : memref<!tpu.dma_semaphore, #tpu.memory_space<semaphore_mem>>
      %dma_start3A = arith.constant 0 : i32
      %dma_start3A_20 = arith.constant 0 : i32
      %dma_start3A_21 = tpu.memref_slice %arg3[%arg0, %add3A_9, %dma_start3A, %dma_start3A_20] : memref<2x32x79x128xi32, #tpu.memory_space<hbm>> -> memref<1x1x79x128xi32, #tpu.memory_space<hbm>>
      %dma_start3A_22 = tpu.memref_squeeze %dma_start3A_21 : memref<1x1x79x128xi32, #tpu.memory_space<hbm>> -> memref<79x128xi32, #tpu.memory_space<hbm>>
      %dma_start3A_23 = arith.constant 0 : i32
      %dma_start3A_24 = arith.constant 0 : i32
      %dma_start3A_25 = tpu.memref_slice %arg3[%arg0, %add3A_9, %dma_start3A_23, %dma_start3A_24] : memref<2x32x79x128xi32, #tpu.memory_space<hbm>> -> memref<1x1x79x128xi32, #tpu.memory_space<hbm>>
      %dma_start3A_26 = tpu.memref_squeeze %dma_start3A_25 : memref<1x1x79x128xi32, #tpu.memory_space<hbm>> -> memref<79x128xi32, #tpu.memory_space<hbm>>
      tpu.enqueue_dma source(%dma_start3A_26 : memref<79x128xi32, #tpu.memory_space<hbm>>) target(%arg6 : memref<79x128xi32, #tpu.memory_space<vmem>>) target_semaphore(%run_scoped3A : memref<!tpu.dma_semaphore, #tpu.memory_space<semaphore_mem>>)
      %dma_wait3A = arith.constant 0 : i32
      %dma_wait3A_27 = arith.constant 0 : i32
      %dma_wait3A_28 = tpu.memref_slice %arg3[%arg0, %add3A_9, %dma_wait3A, %dma_wait3A_27] : memref<2x32x79x128xi32, #tpu.memory_space<hbm>> -> memref<1x1x79x128xi32, #tpu.memory_space<hbm>>
      %dma_wait3A_29 = tpu.memref_squeeze %dma_wait3A_28 : memref<1x1x79x128xi32, #tpu.memory_space<hbm>> -> memref<79x128xi32, #tpu.memory_space<hbm>>
      %dma_wait3A_30 = arith.constant 0 : i32
      %dma_wait3A_31 = arith.constant 0 : i32
      %dma_wait3A_32 = tpu.memref_slice %arg3[%arg0, %add3A_9, %dma_wait3A_30, %dma_wait3A_31] : memref<2x32x79x128xi32, #tpu.memory_space<hbm>> -> memref<1x1x79x128xi32, #tpu.memory_space<hbm>>
      %dma_wait3A_33 = tpu.memref_squeeze %dma_wait3A_32 : memref<1x1x79x128xi32, #tpu.memory_space<hbm>> -> memref<79x128xi32, #tpu.memory_space<hbm>>
      tpu.wait_dma2 semaphore(%run_scoped3A : memref<!tpu.dma_semaphore, #tpu.memory_space<semaphore_mem>>) src(%dma_wait3A_33 : memref<79x128xi32, #tpu.memory_space<hbm>>) dst(%arg6 : memref<79x128xi32, #tpu.memory_space<vmem>>)
      tpu.yield
    }) : () -> ()
    "tpu.region"() ({
      %run_scoped3A = tpu.sem_alloc : memref<!tpu.dma_semaphore, #tpu.memory_space<semaphore_mem>>
      %dma_start3A = arith.constant 0 : i32
      %dma_start3A_20 = arith.constant 0 : i32
      %dma_start3A_21 = tpu.memref_slice %arg4[%add3A_9, %dma_start3A, %dma_start3A_20] : memref<32x79x128xi32, #tpu.memory_space<hbm>> -> memref<1x79x128xi32, #tpu.memory_space<hbm>>
      %dma_start3A_22 = tpu.memref_squeeze %dma_start3A_21 : memref<1x79x128xi32, #tpu.memory_space<hbm>> -> memref<79x128xi32, #tpu.memory_space<hbm>>
      %dma_start3A_23 = arith.constant 0 : i32
      %dma_start3A_24 = arith.constant 0 : i32
      %dma_start3A_25 = tpu.memref_slice %arg4[%add3A_9, %dma_start3A_23, %dma_start3A_24] : memref<32x79x128xi32, #tpu.memory_space<hbm>> -> memref<1x79x128xi32, #tpu.memory_space<hbm>>
      %dma_start3A_26 = tpu.memref_squeeze %dma_start3A_25 : memref<1x79x128xi32, #tpu.memory_space<hbm>> -> memref<79x128xi32, #tpu.memory_space<hbm>>
      tpu.enqueue_dma source(%dma_start3A_26 : memref<79x128xi32, #tpu.memory_space<hbm>>) target(%arg7 : memref<79x128xi32, #tpu.memory_space<vmem>>) target_semaphore(%run_scoped3A : memref<!tpu.dma_semaphore, #tpu.memory_space<semaphore_mem>>)
      %dma_wait3A = arith.constant 0 : i32
      %dma_wait3A_27 = arith.constant 0 : i32
      %dma_wait3A_28 = tpu.memref_slice %arg4[%add3A_9, %dma_wait3A, %dma_wait3A_27] : memref<32x79x128xi32, #tpu.memory_space<hbm>> -> memref<1x79x128xi32, #tpu.memory_space<hbm>>
      %dma_wait3A_29 = tpu.memref_squeeze %dma_wait3A_28 : memref<1x79x128xi32, #tpu.memory_space<hbm>> -> memref<79x128xi32, #tpu.memory_space<hbm>>
      %dma_wait3A_30 = arith.constant 0 : i32
      %dma_wait3A_31 = arith.constant 0 : i32
      %dma_wait3A_32 = tpu.memref_slice %arg4[%add3A_9, %dma_wait3A_30, %dma_wait3A_31] : memref<32x79x128xi32, #tpu.memory_space<hbm>> -> memref<1x79x128xi32, #tpu.memory_space<hbm>>
      %dma_wait3A_33 = tpu.memref_squeeze %dma_wait3A_32 : memref<1x79x128xi32, #tpu.memory_space<hbm>> -> memref<79x128xi32, #tpu.memory_space<hbm>>
      tpu.wait_dma2 semaphore(%run_scoped3A : memref<!tpu.dma_semaphore, #tpu.memory_space<semaphore_mem>>) src(%dma_wait3A_33 : memref<79x128xi32, #tpu.memory_space<hbm>>) dst(%arg7 : memref<79x128xi32, #tpu.memory_space<vmem>>)
      tpu.yield
    }) : () -> ()
    %scan3A_10 = arith.constant 0 : i32
    %scan3A_11 = arith.constant 0 : i32
    %scan3A_12 = arith.constant 79 : i32
    %scan3A_13 = arith.addi %scan3A_11, %scan3A_12 : i32
    %scan3A_14 = arith.constant 1 : i32
    scf.for %scan3A_20 = %scan3A_11 to %scan3A_13 step %scan3A_14  : i32 {
      %dma_start3A = arith.constant 0 : i32
      %dma_start3A_21 = tpu.memref_slice %arg6[%scan3A_20, %dma_start3A] : memref<79x128xi32, #tpu.memory_space<vmem>> -> memref<1x128xi32, #tpu.memory_space<vmem>>
      %dma_start3A_22 = tpu.memref_squeeze %dma_start3A_21 : memref<1x128xi32, #tpu.memory_space<vmem>> -> memref<128xi32, #tpu.memory_space<vmem>>
      %dma_start3A_23 = arith.constant 0 : i32
      %dma_start3A_24 = arith.constant 0 : i32
      %dma_start3A_25 = tpu.memref_slice %arg2[%dma_start3A_23, %dma_start3A_24] : memref<20480x128xf32, #tpu.memory_space<hbm>> -> memref<20480x128xf32, #tpu.memory_space<hbm>>
      tpu.enqueue_indirect_dma source(%dma_start3A_25 : memref<20480x128xf32, #tpu.memory_space<hbm>>) target(%arg8 : memref<128x128xf32, #tpu.memory_space<vmem>>) offsets(%dma_start3A_22 : memref<128xi32, #tpu.memory_space<vmem>>) semaphore(%arg10 : memref<!tpu.dma_semaphore, #tpu.memory_space<semaphore_mem>>)
      %dma_wait3A = arith.constant 0 : i32
      %dma_wait3A_26 = tpu.memref_slice %arg6[%scan3A_20, %dma_wait3A] : memref<79x128xi32, #tpu.memory_space<vmem>> -> memref<1x128xi32, #tpu.memory_space<vmem>>
      %dma_wait3A_27 = tpu.memref_squeeze %dma_wait3A_26 : memref<1x128xi32, #tpu.memory_space<vmem>> -> memref<128xi32, #tpu.memory_space<vmem>>
      %dma_wait3A_28 = arith.constant 0 : i32
      %dma_wait3A_29 = arith.constant 0 : i32
      %dma_wait3A_30 = tpu.memref_slice %arg2[%dma_wait3A_28, %dma_wait3A_29] : memref<20480x128xf32, #tpu.memory_space<hbm>> -> memref<20480x128xf32, #tpu.memory_space<hbm>>
      tpu.wait_indirect_dma semaphore(%arg10 : memref<!tpu.dma_semaphore, #tpu.memory_space<semaphore_mem>>) src(%dma_wait3A_30 : memref<20480x128xf32, #tpu.memory_space<hbm>>) dst(%arg8 : memref<128x128xf32, #tpu.memory_space<vmem>>)
      "tpu.region"() ({
        %run_scoped3A = tpu.sem_alloc : memref<!tpu.dma_semaphore, #tpu.memory_space<semaphore_mem>>
        %dma_start3A_31 = arith.constant 0 : i32
        %dma_start3A_32 = tpu.memref_slice %arg7[%scan3A_20, %dma_start3A_31] : memref<79x128xi32, #tpu.memory_space<vmem>> -> memref<1x128xi32, #tpu.memory_space<vmem>>
        %dma_start3A_33 = tpu.memref_squeeze %dma_start3A_32 : memref<1x128xi32, #tpu.memory_space<vmem>> -> memref<128xi32, #tpu.memory_space<vmem>>
        %dma_start3A_34 = arith.constant 0 : i32
        %dma_start3A_35 = arith.constant 0 : i32
        %dma_start3A_36 = tpu.memref_slice %arg9[%dma_start3A_34, %dma_start3A_35] : memref<10240x128xf32, #tpu.memory_space<vmem_shared>> -> memref<10240x128xf32, #tpu.memory_space<vmem_shared>>
        tpu.enqueue_indirect_dma source(%arg8 : memref<128x128xf32, #tpu.memory_space<vmem>>) target(%dma_start3A_36 : memref<10240x128xf32, #tpu.memory_space<vmem_shared>>) offsets(%dma_start3A_33 : memref<128xi32, #tpu.memory_space<vmem>>) semaphore(%run_scoped3A : memref<!tpu.dma_semaphore, #tpu.memory_space<semaphore_mem>>) {add = true}
        %dma_wait3A_37 = arith.constant 0 : i32
        %dma_wait3A_38 = tpu.memref_slice %arg7[%scan3A_20, %dma_wait3A_37] : memref<79x128xi32, #tpu.memory_space<vmem>> -> memref<1x128xi32, #tpu.memory_space<vmem>>
        %dma_wait3A_39 = tpu.memref_squeeze %dma_wait3A_38 : memref<1x128xi32, #tpu.memory_space<vmem>> -> memref<128xi32, #tpu.memory_space<vmem>>
        %dma_wait3A_40 = arith.constant 0 : i32
        %dma_wait3A_41 = arith.constant 0 : i32
        %dma_wait3A_42 = tpu.memref_slice %arg9[%dma_wait3A_40, %dma_wait3A_41] : memref<10240x128xf32, #tpu.memory_space<vmem_shared>> -> memref<10240x128xf32, #tpu.memory_space<vmem_shared>>
        tpu.wait_indirect_dma semaphore(%run_scoped3A : memref<!tpu.dma_semaphore, #tpu.memory_space<semaphore_mem>>) src(%arg8 : memref<128x128xf32, #tpu.memory_space<vmem>>) dst(%dma_wait3A_42 : memref<10240x128xf32, #tpu.memory_space<vmem_shared>>)
        tpu.yield
      }) : () -> ()
    }
    %scan3A_15 = arith.constant 79 : i32
    %barrier3A_16 = arith.constant 0 : index
    tpu.barrier barrier_id(%barrier3A_16)
    %mul3A_17 = arith.constant 10240 : i32
    %mul3A_18 = arith.muli %arg0, %mul3A_17 : i32
    %add3A_19 = arith.addi %mul3A_18, %mul3A_0 : i32
    "tpu.region"() ({
      %run_scoped3A = tpu.sem_alloc : memref<!tpu.dma_semaphore, #tpu.memory_space<semaphore_mem>>
      %dma_start3A = arith.constant 0 : i32
      %dma_start3A_20 = tpu.memref_slice %arg5[%add3A_19, %dma_start3A] : memref<20480x128xf32, #tpu.memory_space<hbm>> -> memref<640x128xf32, #tpu.memory_space<hbm>>
      %dma_start3A_21 = arith.constant 0 : i32
      %dma_start3A_22 = tpu.memref_slice %arg9[%mul3A_0, %dma_start3A_21] : memref<10240x128xf32, #tpu.memory_space<vmem_shared>> -> memref<640x128xf32, #tpu.memory_space<vmem_shared>>
      tpu.enqueue_dma source(%dma_start3A_22 : memref<640x128xf32, #tpu.memory_space<vmem_shared>>) target(%dma_start3A_20 : memref<640x128xf32, #tpu.memory_space<hbm>>) target_semaphore(%run_scoped3A : memref<!tpu.dma_semaphore, #tpu.memory_space<semaphore_mem>>)
      %dma_wait3A = arith.constant 0 : i32
      %dma_wait3A_23 = tpu.memref_slice %arg5[%add3A_19, %dma_wait3A] : memref<20480x128xf32, #tpu.memory_space<hbm>> -> memref<640x128xf32, #tpu.memory_space<hbm>>
      %dma_wait3A_24 = arith.constant 0 : i32
      %dma_wait3A_25 = tpu.memref_slice %arg9[%mul3A_0, %dma_wait3A_24] : memref<10240x128xf32, #tpu.memory_space<vmem_shared>> -> memref<640x128xf32, #tpu.memory_space<vmem_shared>>
      tpu.wait_dma2 semaphore(%run_scoped3A : memref<!tpu.dma_semaphore, #tpu.memory_space<semaphore_mem>>) src(%dma_wait3A_25 : memref<640x128xf32, #tpu.memory_space<vmem_shared>>) dst(%dma_wait3A_23 : memref<640x128xf32, #tpu.memory_space<hbm>>)
      tpu.yield
    }) : () -> ()
    return
  }
}

module attributes {stable_mosaic.version = 14 : i64} {
  func.func @_mm2_body(%arg0: i32, %arg1: memref<2x256x128xf32, #tpu.memory_space<vmem>>, %arg2: memref<32x256xf32, #tpu.memory_space<vmem>>, %arg3: memref<256x128xf32, #tpu.memory_space<vmem>>, %arg4: memref<1x256xf32, #tpu.memory_space<vmem>>, %arg5: memref<256x128xf32, #tpu.memory_space<vmem>>) attributes {dimension_semantics = [#tpu.dimension_semantics<arbitrary>], iteration_bounds = array<i64: 40>, scalar_prefetch = 0 : i64, scratch_operands = 0 : i64, tpu.core_type = #tpu.core_type<tc>, window_params = [{transform_indices = @transform_0, window_bounds = array<i64: 2, 256, 128>}, {transform_indices = @transform_1, window_bounds = array<i64: 32, 256>}, {pipeline_mode = #tpu.pipeline_mode<synchronous>, transform_indices = @transform_2, window_bounds = array<i64: 256, 128>}, {pipeline_mode = #tpu.pipeline_mode<synchronous>, transform_indices = @transform_3, window_bounds = array<i64: 1, 256>}, {transform_indices = @transform_4, window_bounds = array<i64: 256, 128>}]} {
    %get3A = arith.constant 0 : index
    %get3A_0 = arith.constant 0 : index
    %get3A_1 = vector.load %arg2[%get3A, %get3A_0] : memref<32x256xf32, #tpu.memory_space<vmem>>, vector<32x256xf32>
    %reduce_sum3A = arith.constant dense<0.000000e+00> : vector<256xf32>
    %reduce_sum3A_2 = vector.multi_reduction <add>, %get3A_1, %reduce_sum3A [0] : vector<32x256xf32> to vector<256xf32>
    %add3A = arith.constant 1.000000e+00 : f32
    %add3A_3 = vector.broadcast %add3A : f32 to vector<256xf32>
    %add3A_4 = arith.addf %reduce_sum3A_2, %add3A_3 : vector<256xf32>
    %rsqrt3A = math.rsqrt %add3A_4 : vector<256xf32>
    %get3A_5 = arith.constant 0 : index
    %get3A_6 = arith.constant 0 : index
    %get3A_7 = arith.constant 0 : index
    %get3A_8 = vector.load %arg1[%get3A_5, %get3A_6, %get3A_7] : memref<2x256x128xf32, #tpu.memory_space<vmem>>, vector<1x256x128xf32>
    %get3A_9 = vector.shape_cast %get3A_8 : vector<1x256x128xf32> to vector<256x128xf32>
    %get3A_10 = arith.constant 1 : index
    %get3A_11 = arith.constant 0 : index
    %get3A_12 = arith.constant 0 : index
    %get3A_13 = vector.load %arg1[%get3A_10, %get3A_11, %get3A_12] : memref<2x256x128xf32, #tpu.memory_space<vmem>>, vector<1x256x128xf32>
    %get3A_14 = vector.shape_cast %get3A_13 : vector<1x256x128xf32> to vector<256x128xf32>
    %concatenate3A = tpu.concatenate %get3A_9, %get3A_14 in 1 : vector<256x128xf32>, vector<256x128xf32> -> vector<256x256xf32>
    %broadcast_in_dim3A = vector.shape_cast %rsqrt3A : vector<256xf32> to vector<256x1xf32>
    %mul3A = vector.broadcast %broadcast_in_dim3A : vector<256x1xf32> to vector<256x256xf32>
    %mul3A_15 = arith.mulf %mul3A, %concatenate3A : vector<256x256xf32>
    %get3A_16 = arith.constant 0 : index
    %get3A_17 = arith.constant 0 : index
    %get3A_18 = vector.load %arg4[%get3A_16, %get3A_17] : memref<1x256xf32, #tpu.memory_space<vmem>>, vector<1x256xf32>
    %add3A_19 = vector.broadcast %get3A_18 : vector<1x256xf32> to vector<256x256xf32>
    %add3A_20 = arith.addf %mul3A_15, %add3A_19 : vector<256x256xf32>
    %max3A = arith.constant 0.000000e+00 : f32
    %max3A_21 = vector.broadcast %max3A : f32 to vector<256x256xf32>
    %max3A_22 = arith.maximumf %add3A_20, %max3A_21 : vector<256x256xf32>
    %get3A_23 = arith.constant 0 : index
    %get3A_24 = arith.constant 0 : index
    %get3A_25 = vector.load %arg3[%get3A_23, %get3A_24] : memref<256x128xf32, #tpu.memory_space<vmem>>, vector<256x128xf32>
    %dot_general3A = arith.constant dense<0.000000e+00> : vector<256x128xf32>
    %dot_general3A_26 = tpu.matmul %max3A_22, %get3A_25, %dot_general3A {dimension_numbers = #tpu.dot_dimension_numbers<[1], [0], [0], [1], [0, 0, 1, 1], [], []>, precision = #tpu.contract_precision<fp32>, transpose_lhs_hint = false} : vector<256x256xf32>, vector<256x128xf32>, vector<256x128xf32> -> vector<256x128xf32>
    %broadcast_in_dim3A_27 = vector.shape_cast %rsqrt3A : vector<256xf32> to vector<256x1xf32>
    %mul3A_28 = vector.broadcast %broadcast_in_dim3A_27 : vector<256x1xf32> to vector<256x128xf32>
    %mul3A_29 = arith.mulf %mul3A_28, %dot_general3A_26 : vector<256x128xf32>
    %swap3A = arith.constant 0 : index
    %swap3A_30 = arith.constant 0 : index
    %swap3A_31 = vector.load %arg5[%swap3A, %swap3A_30] : memref<256x128xf32, #tpu.memory_space<vmem>>, vector<256x128xf32>
    tpu.vector_store %arg5[%swap3A, %swap3A_30], %mul3A_29 {strides = array<i32>} : memref<256x128xf32, #tpu.memory_space<vmem>>, vector<256x128xf32>,
    return
  }
  func.func @transform_0(%arg0: i32) -> (i32, i32, i32) {
    %c0_i32 = arith.constant 0 : i32
    %c0_i32_0 = arith.constant 0 : i32
    %c0_i32_1 = arith.constant 0 : i32
    return %c0_i32, %arg0, %c0_i32_0 : i32, i32, i32
  }
  func.func @transform_1(%arg0: i32) -> (i32, i32) {
    %c0_i32 = arith.constant 0 : i32
    %c0_i32_0 = arith.constant 0 : i32
    return %c0_i32, %arg0 : i32, i32
  }
  func.func @transform_2(%arg0: i32) -> (i32, i32) {
    %c0_i32 = arith.constant 0 : i32
    %c0_i32_0 = arith.constant 0 : i32
    %c0_i32_1 = arith.constant 0 : i32
    return %c0_i32, %c0_i32_0 : i32, i32
  }
  func.func @transform_3(%arg0: i32) -> (i32, i32) {
    %c0_i32 = arith.constant 0 : i32
    %c0_i32_0 = arith.constant 0 : i32
    %c0_i32_1 = arith.constant 0 : i32
    return %c0_i32, %c0_i32_0 : i32, i32
  }
  func.func @transform_4(%arg0: i32) -> (i32, i32) {
    %c0_i32 = arith.constant 0 : i32
    %c0_i32_0 = arith.constant 0 : i32
    return %arg0, %c0_i32 : i32, i32
  }
}

module attributes {stable_mosaic.version = 14 : i64} {
  func.func @_mm1_body(%arg0: i32, %arg1: memref<256x128xf32, #tpu.memory_space<vmem>>, %arg2: memref<1x1x256xi32, #tpu.memory_space<vmem>>, %arg3: memref<32x256xf32, #tpu.memory_space<vmem>>, %arg4: memref<128x256xf32, #tpu.memory_space<vmem>>, %arg5: memref<64x256xf32, #tpu.memory_space<vmem>>, %arg6: memref<2x256x128xf32, #tpu.memory_space<vmem>>) attributes {dimension_semantics = [#tpu.dimension_semantics<arbitrary>], iteration_bounds = array<i64: 40>, scalar_prefetch = 0 : i64, scratch_operands = 0 : i64, tpu.core_type = #tpu.core_type<tc>, window_params = [{transform_indices = @transform_0, window_bounds = array<i64: 256, 128>}, {transform_indices = @transform_1, window_bounds = array<i64: 1, 1, 256>}, {transform_indices = @transform_2, window_bounds = array<i64: 32, 256>}, {pipeline_mode = #tpu.pipeline_mode<synchronous>, transform_indices = @transform_3, window_bounds = array<i64: 128, 256>}, {pipeline_mode = #tpu.pipeline_mode<synchronous>, transform_indices = @transform_4, window_bounds = array<i64: 64, 256>}, {transform_indices = @transform_5, window_bounds = array<i64: 2, 256, 128>}]} {
    %get3A = arith.constant 0 : index
    %get3A_0 = arith.constant 0 : index
    %get3A_1 = vector.load %arg3[%get3A, %get3A_0] : memref<32x256xf32, #tpu.memory_space<vmem>>, vector<32x256xf32>
    %reduce_sum3A = arith.constant dense<0.000000e+00> : vector<256xf32>
    %reduce_sum3A_2 = vector.multi_reduction <add>, %get3A_1, %reduce_sum3A [0] : vector<32x256xf32> to vector<256xf32>
    %add3A = arith.constant 1.000000e+00 : f32
    %add3A_3 = vector.broadcast %add3A : f32 to vector<256xf32>
    %add3A_4 = arith.addf %reduce_sum3A_2, %add3A_3 : vector<256xf32>
    %rsqrt3A = math.rsqrt %add3A_4 : vector<256xf32>
    %get3A_5 = arith.constant 0 : index
    %get3A_6 = arith.constant 0 : index
    %get3A_7 = arith.constant 0 : index
    %get3A_8 = vector.load %arg2[%get3A_5, %get3A_6, %get3A_7] : memref<1x1x256xi32, #tpu.memory_space<vmem>>, vector<1x1x256xi32>
    %get3A_9 = vector.shape_cast %get3A_8 : vector<1x1x256xi32> to vector<256xi32>
    %broadcast_in_dim3A = vector.shape_cast %get3A_9 : vector<256xi32> to vector<256x1xi32>
    %iota3A = tpu.iota {dimensions = array<i32: 1>} : vector<1x64xi32>
    %eq3A = vector.broadcast %broadcast_in_dim3A : vector<256x1xi32> to vector<256x64xi32>
    %eq3A_10 = vector.broadcast %iota3A : vector<1x64xi32> to vector<256x64xi32>
    %eq3A_11 = arith.cmpi eq, %eq3A, %eq3A_10 : vector<256x64xi32>
    %convert_element_type3A = arith.extui %eq3A_11 : vector<256x64xi1> to vector<256x64xi32>
    %convert_element_type3A_12 = arith.sitofp %convert_element_type3A : vector<256x64xi32> to vector<256x64xf32>
    %get3A_13 = arith.constant 0 : index
    %get3A_14 = arith.constant 0 : index
    %get3A_15 = vector.load %arg1[%get3A_13, %get3A_14] : memref<256x128xf32, #tpu.memory_space<vmem>>, vector<256x128xf32>
    %get3A_16 = arith.constant 0 : index
    %get3A_17 = arith.constant 0 : index
    %get3A_18 = vector.load %arg4[%get3A_16, %get3A_17] : memref<128x256xf32, #tpu.memory_space<vmem>>, vector<128x256xf32>
    %dot_general3A = arith.constant dense<0.000000e+00> : vector<256x256xf32>
    %dot_general3A_19 = tpu.matmul %get3A_15, %get3A_18, %dot_general3A {dimension_numbers = #tpu.dot_dimension_numbers<[1], [0], [0], [1], [0, 0, 1, 1], [], []>, precision = #tpu.contract_precision<fp32>, transpose_lhs_hint = false} : vector<256x128xf32>, vector<128x256xf32>, vector<256x256xf32> -> vector<256x256xf32>
    %get3A_20 = arith.constant 0 : index
    %get3A_21 = arith.constant 0 : index
    %get3A_22 = vector.load %arg5[%get3A_20, %get3A_21] : memref<64x256xf32, #tpu.memory_space<vmem>>, vector<64x256xf32>
    %dot_general3A_23 = arith.constant dense<0.000000e+00> : vector<256x256xf32>
    %dot_general3A_24 = tpu.matmul %convert_element_type3A_12, %get3A_22, %dot_general3A_23 {dimension_numbers = #tpu.dot_dimension_numbers<[1], [0], [0], [1], [0, 0, 1, 1], [], []>, precision = #tpu.contract_precision<fp32>, transpose_lhs_hint = false} : vector<256x64xf32>, vector<64x256xf32>, vector<256x256xf32> -> vector<256x256xf32>
    %add3A_25 = arith.addf %dot_general3A_19, %dot_general3A_24 : vector<256x256xf32>
    %broadcast_in_dim3A_26 = vector.shape_cast %rsqrt3A : vector<256xf32> to vector<256x1xf32>
    %mul3A = vector.broadcast %broadcast_in_dim3A_26 : vector<256x1xf32> to vector<256x256xf32>
    %mul3A_27 = arith.mulf %mul3A, %add3A_25 : vector<256x256xf32>
    %slice3A = vector.extract_strided_slice %mul3A_27 {offsets = [0, 0], sizes = [256, 128], strides = [1, 1]} : vector<256x256xf32> to vector<256x128xf32>
    %swap3A = arith.constant 0 : index
    %swap3A_28 = arith.constant 0 : index
    %swap3A_29 = arith.constant 0 : index
    %swap3A_30 = vector.load %arg6[%swap3A, %swap3A_28, %swap3A_29] : memref<2x256x128xf32, #tpu.memory_space<vmem>>, vector<1x256x128xf32>
    %swap3A_31 = vector.shape_cast %swap3A_30 : vector<1x256x128xf32> to vector<256x128xf32>
    %swap3A_32 = vector.shape_cast %slice3A : vector<256x128xf32> to vector<1x256x128xf32>
    tpu.vector_store %arg6[%swap3A, %swap3A_28, %swap3A_29], %swap3A_32 {strides = array<i32>} : memref<2x256x128xf32, #tpu.memory_space<vmem>>, vector<1x256x128xf32>,
    %slice3A_33 = vector.extract_strided_slice %mul3A_27 {offsets = [0, 128], sizes = [256, 128], strides = [1, 1]} : vector<256x256xf32> to vector<256x128xf32>
    %swap3A_34 = arith.constant 1 : index
    %swap3A_35 = arith.constant 0 : index
    %swap3A_36 = arith.constant 0 : index
    %swap3A_37 = vector.load %arg6[%swap3A_34, %swap3A_35, %swap3A_36] : memref<2x256x128xf32, #tpu.memory_space<vmem>>, vector<1x256x128xf32>
    %swap3A_38 = vector.shape_cast %swap3A_37 : vector<1x256x128xf32> to vector<256x128xf32>
    %swap3A_39 = vector.shape_cast %slice3A_33 : vector<256x128xf32> to vector<1x256x128xf32>
    tpu.vector_store %arg6[%swap3A_34, %swap3A_35, %swap3A_36], %swap3A_39 {strides = array<i32>} : memref<2x256x128xf32, #tpu.memory_space<vmem>>, vector<1x256x128xf32>,
    return
  }
  func.func @transform_0(%arg0: i32) -> (i32, i32) {
    %c0_i32 = arith.constant 0 : i32
    %c0_i32_0 = arith.constant 0 : i32
    return %arg0, %c0_i32 : i32, i32
  }
  func.func @transform_1(%arg0: i32) -> (i32, i32, i32) {
    %c0_i32 = arith.constant 0 : i32
    %c0_i32_0 = arith.constant 0 : i32
    %c0_i32_1 = arith.constant 0 : i32
    return %arg0, %c0_i32, %c0_i32_0 : i32, i32, i32
  }
  func.func @transform_2(%arg0: i32) -> (i32, i32) {
    %c0_i32 = arith.constant 0 : i32
    %c0_i32_0 = arith.constant 0 : i32
    return %c0_i32, %arg0 : i32, i32
  }
  func.func @transform_3(%arg0: i32) -> (i32, i32) {
    %c0_i32 = arith.constant 0 : i32
    %c0_i32_0 = arith.constant 0 : i32
    %c0_i32_1 = arith.constant 0 : i32
    return %c0_i32, %c0_i32_0 : i32, i32
  }
  func.func @transform_4(%arg0: i32) -> (i32, i32) {
    %c0_i32 = arith.constant 0 : i32
    %c0_i32_0 = arith.constant 0 : i32
    %c0_i32_1 = arith.constant 0 : i32
    return %c0_i32, %c0_i32_0 : i32, i32
  }
  func.func @transform_5(%arg0: i32) -> (i32, i32, i32) {
    %c0_i32 = arith.constant 0 : i32
    %c0_i32_0 = arith.constant 0 : i32
    %c0_i32_1 = arith.constant 0 : i32
    return %c0_i32, %arg0, %c0_i32_0 : i32, i32, i32
  }
}

module attributes {stable_mosaic.version = 14 : i64} {
  func.func @_mm3_body(%arg0: i32, %arg1: memref<2x256x128xf32, #tpu.memory_space<vmem>>, %arg2: memref<256x128xf32, #tpu.memory_space<vmem>>, %arg3: memref<32x256xf32, #tpu.memory_space<vmem>>, %arg4: memref<1x128xf32, #tpu.memory_space<vmem>>, %arg5: memref<256x128xf32, #tpu.memory_space<vmem>>) attributes {dimension_semantics = [#tpu.dimension_semantics<arbitrary>], iteration_bounds = array<i64: 40>, scalar_prefetch = 0 : i64, scratch_operands = 0 : i64, tpu.core_type = #tpu.core_type<tc>, window_params = [{transform_indices = @transform_0, window_bounds = array<i64: 2, 256, 128>}, {transform_indices = @transform_1, window_bounds = array<i64: 256, 128>}, {transform_indices = @transform_2, window_bounds = array<i64: 32, 256>}, {pipeline_mode = #tpu.pipeline_mode<synchronous>, transform_indices = @transform_3, window_bounds = array<i64: 1, 128>}, {transform_indices = @transform_4, window_bounds = array<i64: 256, 128>}]} {
    %get3A = arith.constant 0 : index
    %get3A_0 = arith.constant 0 : index
    %get3A_1 = vector.load %arg3[%get3A, %get3A_0] : memref<32x256xf32, #tpu.memory_space<vmem>>, vector<32x256xf32>
    %reduce_sum3A = arith.constant dense<0.000000e+00> : vector<256xf32>
    %reduce_sum3A_2 = vector.multi_reduction <add>, %get3A_1, %reduce_sum3A [0] : vector<32x256xf32> to vector<256xf32>
    %add3A = arith.constant 1.000000e+00 : f32
    %add3A_3 = vector.broadcast %add3A : f32 to vector<256xf32>
    %add3A_4 = arith.addf %reduce_sum3A_2, %add3A_3 : vector<256xf32>
    %rsqrt3A = math.rsqrt %add3A_4 : vector<256xf32>
    %get3A_5 = arith.constant 0 : index
    %get3A_6 = arith.constant 0 : index
    %get3A_7 = arith.constant 0 : index
    %get3A_8 = vector.load %arg1[%get3A_5, %get3A_6, %get3A_7] : memref<2x256x128xf32, #tpu.memory_space<vmem>>, vector<1x256x128xf32>
    %get3A_9 = vector.shape_cast %get3A_8 : vector<1x256x128xf32> to vector<256x128xf32>
    %get3A_10 = arith.constant 1 : index
    %get3A_11 = arith.constant 0 : index
    %get3A_12 = arith.constant 0 : index
    %get3A_13 = vector.load %arg1[%get3A_10, %get3A_11, %get3A_12] : memref<2x256x128xf32, #tpu.memory_space<vmem>>, vector<1x256x128xf32>
    %get3A_14 = vector.shape_cast %get3A_13 : vector<1x256x128xf32> to vector<256x128xf32>
    %add3A_15 = arith.addf %get3A_9, %get3A_14 : vector<256x128xf32>
    %get3A_16 = arith.constant 0 : index
    %get3A_17 = arith.constant 0 : index
    %get3A_18 = vector.load %arg2[%get3A_16, %get3A_17] : memref<256x128xf32, #tpu.memory_space<vmem>>, vector<256x128xf32>
    %sub3A = arith.subf %add3A_15, %get3A_18 : vector<256x128xf32>
    %broadcast_in_dim3A = vector.shape_cast %rsqrt3A : vector<256xf32> to vector<256x1xf32>
    %mul3A = vector.broadcast %broadcast_in_dim3A : vector<256x1xf32> to vector<256x128xf32>
    %mul3A_19 = arith.mulf %mul3A, %sub3A : vector<256x128xf32>
    %get3A_20 = arith.constant 0 : index
    %get3A_21 = arith.constant 0 : index
    %get3A_22 = vector.load %arg4[%get3A_20, %get3A_21] : memref<1x128xf32, #tpu.memory_space<vmem>>, vector<1x128xf32>
    %add3A_23 = vector.broadcast %get3A_22 : vector<1x128xf32> to vector<256x128xf32>
    %add3A_24 = arith.addf %mul3A_19, %add3A_23 : vector<256x128xf32>
    %swap3A = arith.constant 0 : index
    %swap3A_25 = arith.constant 0 : index
    %swap3A_26 = vector.load %arg5[%swap3A, %swap3A_25] : memref<256x128xf32, #tpu.memory_space<vmem>>, vector<256x128xf32>
    tpu.vector_store %arg5[%swap3A, %swap3A_25], %add3A_24 {strides = array<i32>} : memref<256x128xf32, #tpu.memory_space<vmem>>, vector<256x128xf32>,
    return
  }
  func.func @transform_0(%arg0: i32) -> (i32, i32, i32) {
    %c0_i32 = arith.constant 0 : i32
    %c0_i32_0 = arith.constant 0 : i32
    %c0_i32_1 = arith.constant 0 : i32
    return %c0_i32, %arg0, %c0_i32_0 : i32, i32, i32
  }
  func.func @transform_1(%arg0: i32) -> (i32, i32) {
    %c0_i32 = arith.constant 0 : i32
    %c0_i32_0 = arith.constant 0 : i32
    return %arg0, %c0_i32 : i32, i32
  }
  func.func @transform_2(%arg0: i32) -> (i32, i32) {
    %c0_i32 = arith.constant 0 : i32
    %c0_i32_0 = arith.constant 0 : i32
    return %c0_i32, %arg0 : i32, i32
  }
  func.func @transform_3(%arg0: i32) -> (i32, i32) {
    %c0_i32 = arith.constant 0 : i32
    %c0_i32_0 = arith.constant 0 : i32
    %c0_i32_1 = arith.constant 0 : i32
    return %c0_i32, %c0_i32_0 : i32, i32
  }
  func.func @transform_4(%arg0: i32) -> (i32, i32) {
    %c0_i32 = arith.constant 0 : i32
    %c0_i32_0 = arith.constant 0 : i32
    return %arg0, %c0_i32 : i32, i32
  }
}

</mosaic_0001>

<sc_bundles>
// kernel: kernel.11.cloned.1.call-start
scs
__scs_entry_jumppad:
0x0: {  	(pc) =	sbr.rel $0x88, $3  }
0x1: {  	(tag) =	ssettag $0x0;
	lr =	simm.s32 $0x1  }
0x2: {  	[smem:$0x3F9A] =	sst lr;
	_ =	strace $0xD0000000  }
0x3: {  	_ = 	snop  }
0x4: {  	_ = 	snop  }
0x5: {  	_ = 	snop  }
0x6: {  	_ = 	snop  }
0x7: {  	_ = 	snop  }
__scs_overlays_trampoline_lowered:
0x8: {  	[smem:$0x3FA9] =	sst s0  }
0x9: {  	[smem:$0x3FAA] =	sst s1  }
0xa: {  	[smem:$0x3FAB] =	sst s2  }
0xb: {  	[smem:$0x3FAC] =	sst s3  }
0xc: {  	[smem:$0x3FAD] =	sst s4  }
0xd: {  	[smem:$0x3FAE] =	sst s5  }
0xe: {  	[smem:$0x3FAF] =	sst s6  }
0xf: {  	[smem:$0x3FB0] =	sst s7  }
0x10: {  	[smem:$0x3FB1] =	sst s8  }
0x11: {  	[smem:$0x3FB2] =	sst s9;
	s0 =	simm.s32 @!p0 $0x0  }
0x12: {  	s1 =	sld [smem:$0x3F98];
	s0 =	simm.s32 @p0 $0x1  }
0x13: {  	[smem:$0x3FB3] =	sst s0;
	s0 =	simm.s32 @!p1 $0x0  }
0x14: {  	s2 =	sld [smem:$0x3F97];
	s0 =	simm.s32 @p1 $0x1  }
0x15: {  	[smem:$0x3FB4] =	sst s0;
	s0 =	simm.s32 @!p2 $0x0  }
0x16: {  	s3 =	sld [smem:$0x3FDB];
	s0 =	simm.s32 @p2 $0x1  }
0x17: {  	s4 =	simm.s32 $0x1BF5;
	[smem:$0x3FB6] =	sst s0  }
0x18: {  	s0 =	sld [smem:$0x3F99];
	_ =	swait.ge [sflag:s4], $0x0  }
0x19: {  	s7 =	sld [smem:$0x3F9A]  }
0x1a: {  	s8 =	sadd.s32 $0xFFFFE003, lr  }
0x1b: {  	s9 =	sadd.s32 $0xFFFFFEF7, lr;
	s5 =	simm.s32 $0xFFFFFFFF;
	p2 =	slt.u32 s8, $0xFFFFF086  }
0x1c: {  	p1 =	slt.u32 s9, $0xF7A;
	s5 =	simm.s32 @!p2 $0x0  }
0x1d: {  	s5 =	simm.s32 @p1 $0x1;
	p0 =	seq.s32 s7, s2  }
0x1e: {  	s7 =	smul.u32 @!p0 $0xF7A, s2;
	p2 =	seq.s32 @!p0 s5, $0x0  }
0x1f: {  	s9 =	smul.u32 $0xF7A, s1;
	s8 =	simm.s32 @!p0 $0x1BF5;
	p2 =	por !p2, p0  }
0x20: {  	[sflag:s8] =	ssyncset.s32 @!p0 $0xFFFFF086;
	s6 =	sadd.s32 @!p0 s3, s7;
	s7 =	simm.s32 @!p0 $0x108  }
0x21: {  	s3 =	sadd.s32 s3, s9;
	s6 =	sadd.s32 @!p0 $0x88, s6;
	s7 =	simm.s32 @p2 $0x1082  }
0x22: {  	[simem:s7], [sflag:s8] =	dma.local @!p0 [hbm:s6], $0xF7A  }
0x23: {  	s9 =	sor.u32 $0xD0000000, s2;
	s6 =	simm.s32 $0x108;
	_ =	swait.ge @!p0 [sflag:s8], $0x0  }
0x24: {  	s3 =	sadd.s32 $0x88, s3;
	s6 =	simm.s32 @!p1 $0x1082;
	[sflag:s4] =	ssyncset.s32 $0xFFFFF086  }
0x25: {  	[simem:s6], [sflag:s4] =	dma.local [hbm:s3], $0xF7A  }
0x26: {  	[smem:$0x3F9A] =	sst s1;
	(tag) =	ssettag s2;
	_ =	strace s9  }
0x27: {  	s1 =	sld [smem:$0x3FAA]  }
0x28: {  	s2 =	sld [smem:$0x3FAB]  }
0x29: {  	s4 =	sld [smem:$0x3FAD]  }
0x2a: {  	p0 =	seq.s32 s5, $0x0;
	s5 =	sld [smem:$0x3FAE]  }
0x2b: {  	s6 =	sld [smem:$0x3FAF]  }
0x2c: {  	s7 =	sld [smem:$0x3FB0]  }
0x2d: {  	s3 =	simm.s32 $0x108;
	s8 =	sld [smem:$0x3FB1]  }
0x2e: {  	s3 =	simm.s32 @!p0 $0x1082;
	s9 =	sld [smem:$0x3FB2]  }
0x2f: {  	lr =	sadd.s32 s0, s3;
	s0 =	sld [smem:$0x3FA9]  }
0x30: {  	s3 =	sld [smem:$0x3FAC]  }
0x31: {  	[smem:$0x3FB5] =	sst s10  }
0x32: {  	s10 =	sld [smem:$0x3FB3];
	_ =	sdelay $0x3  }
0x33: {  	p0 =	seq.s32 s10, $0x1;
	s10 =	sld [smem:$0x3FB5];
	_ =	sdelay $0x3  }
0x34: {  	[smem:$0x3FB5] =	sst s10  }
0x35: {  	s10 =	sld [smem:$0x3FB4];
	_ =	sdelay $0x3  }
0x36: {  	p1 =	seq.s32 s10, $0x1;
	s10 =	sld [smem:$0x3FB5];
	_ =	sdelay $0x3  }
0x37: {  	[smem:$0x3FB5] =	sst s10  }
0x38: {  	s10 =	sld [smem:$0x3FB6]  }
0x39: {  	_ = 	snop;
	(pc) =	sbr.ind lr, $3  }
0x3a: {  	_ = 	snop  }
0x3b: {  	_ = 	snop  }
0x3c: {  	p2 =	seq.s32 s10, $0x1;
	s10 =	sld [smem:$0x3FB5]  }
0x3d: {  	_ =	shalt  }
0x3e: {  	_ =	shalt  }
0x3f: {  	_ =	shalt  }
0x40: {  	_ =	shalt  }
0x41: {  	_ =	shalt  }
0x42: {  	_ =	shalt  }
0x43: {  	_ =	shalt  }
0x44: {  	_ =	shalt  }
0x45: {  	_ =	shalt  }
0x46: {  	_ =	shalt  }
0x47: {  	_ =	shalt  }
0x48: {  	_ =	shalt  }
0x49: {  	_ =	shalt  }
0x4a: {  	_ =	shalt  }
0x4b: {  	_ =	shalt  }
0x4c: {  	_ =	shalt  }
0x4d: {  	_ =	shalt  }
0x4e: {  	_ =	shalt  }
0x4f: {  	_ =	shalt  }
0x50: {  	_ =	shalt  }
0x51: {  	_ =	shalt  }
0x52: {  	_ =	shalt  }
0x53: {  	_ =	shalt  }
0x54: {  	_ =	shalt  }
0x55: {  	_ =	shalt  }
0x56: {  	_ =	shalt  }
0x57: {  	_ =	shalt  }
0x58: {  	_ =	shalt  }
0x59: {  	_ =	shalt  }
0x5a: {  	_ =	shalt  }
0x5b: {  	_ =	shalt  }
0x5c: {  	_ =	shalt  }
0x5d: {  	_ =	shalt  }
0x5e: {  	_ =	shalt  }
0x5f: {  	_ =	shalt  }
0x60: {  	_ =	shalt  }
0x61: {  	_ =	shalt  }
0x62: {  	_ =	shalt  }
0x63: {  	_ =	shalt  }
0x64: {  	_ =	shalt  }
0x65: {  	_ =	shalt  }
0x66: {  	_ =	shalt  }
0x67: {  	_ =	shalt  }
0x68: {  	_ =	shalt  }
0x69: {  	_ =	shalt  }
0x6a: {  	_ =	shalt  }
0x6b: {  	_ =	shalt  }
0x6c: {  	_ =	shalt  }
0x6d: {  	_ =	shalt  }
0x6e: {  	_ =	shalt  }
0x6f: {  	_ =	shalt  }
0x70: {  	_ =	shalt  }
0x71: {  	_ =	shalt  }
0x72: {  	_ =	shalt  }
0x73: {  	_ =	shalt  }
0x74: {  	_ =	shalt  }
0x75: {  	_ =	shalt  }
0x76: {  	_ =	shalt  }
0x77: {  	_ =	shalt  }
0x78: {  	_ =	shalt  }
0x79: {  	_ =	shalt  }
0x7a: {  	_ =	shalt  }
0x7b: {  	_ =	shalt  }
0x7c: {  	_ =	shalt  }
0x7d: {  	_ =	shalt  }
0x7e: {  	_ =	shalt  }
0x7f: {  	_ =	shalt  }
0x80: {  	_ =	shalt  }
0x81: {  	_ =	shalt  }
0x82: {  	_ =	shalt  }
0x83: {  	_ =	shalt  }
0x84: {  	_ =	shalt  }
0x85: {  	_ =	shalt  }
0x86: {  	_ =	shalt  }
0x87: {  	_ =	shalt  }
.Lfunc_end0:
.L_simem_size_0:
called_computation.1_lowered:
.L_overlay_start_0:
0x88: {  	s2 =	sld [smem:$0x3FD9]  }
0x89: {  	s3 =	sld [smem:$0x3FFE];
	_ =	sdelay $0x1  }
0x8a: {  	s1 =	srdreg.scid  }
0x8b: {  	s0 =	sand.u32 $0x1, s1  }
0x8c: {  	s17 =	sshll.u32 s0, $0xA;
	s2 =	sadd.s32 s3, s2  }
0x8d: {  	s2 =	sadd.s32 s2, s17  }
0x8e: {  	[smem:$0x3FC1] =	sst s2  }
0x8f: {  	_ = 	snop  }
0x90: {  	s2 =	sld [smem:$0x3FD0];
	(tm) =	ssettm $0x1  }
0x91: {  	s18 =	sld [smem:$0x3FFB];
	_ =	sdelay $0x3  }
0x92: {  	_ =	strace s18  }
0x93: {  	s3 =	sld [smem:$0x3FFC];
	_ =	sdelay $0x3  }
0x94: {  	_ =	strace s3  }
0x95: {  	s3 =	sld [smem:$0x3FFD];
	_ =	sdelay $0x3  }
0x96: {  	_ =	strace s3  }
0x97: {  	_ =	strace $0x8FFFFFFF  }
0x98: {  	s19 =	sld [smem:$0x3FDB];
	_ =	sdelay $0x1  }
0x99: {  	s4 =	simm.s32 $_scs_section_size  }
0x9a: {  	s5 =	simm.s32 $_size__tile_overlayer_lowered;
	s6 =	simm.s32 $_tile_overlayer_lowered  }
0x9b: {  	s22 =	simm.s32 $0x1BFF;
	s21 =	sshll.u32 s6, $0x1;
	s3 =	sadd.s32 s4, s19  }
0x9c: {  	s7 =	simm.s32 $0x0;
	s20 =	sshll.u32 s5, $0x1;
	s5 =	sadd.s32 s21, s3  }
0x9d: {  	[timem:s7], [sflag:s22] =	dma.local [hbm:s5], s20  }
0x9e: {  	_ =	swait.ge [sflag:s22], s20  }
0x9f: {  	s4 =	ssub.s32 $0x0, s20;
	[sflag:s22] =	ssyncset.done $0x0  }
0xa0: {  	[sflag:s22] =	ssyncadd.s32 s4;
	_ =	sdelay $0x1  }
0xa1: {  	s23 =	simm.s32 $0x1B8B  }
0xa2: {  	_ =	swait.ge [sflag:s23], $0x1  }
0xa3: {  	[sflag:s23] =	ssyncset.done $0x0  }
0xa4: {  	s25 =	simm.s32 $0x1B8E;
	s24 =	sld [smem:$0x3FFE];
	[sflag:s23] =	ssyncadd.s32 $0xFFFFFFFF  }
0xa5: {  	s26 =	simm.s32 $execute0_lowered;
	[smem:$0x3FD2] =	sst s25  }
0xa6: {  	s5 =	sshll.u32 s26, $0x1;
	_ =	strace $0x80000049;
	[dreg:$0x1] =	wrdreg $0xFFFFFFFF  }
0xa7: {  	s28 =	simm.s32 $_size_execute0_lowered;
	s3 =	sadd.s32 s3, s5;
	[dreg:$0x0] =	wrdreg $0x0  }
0xa8: {  	s5 =	sshll.u32 s28, $0x1;
	[dreg:$0x2] =	wrdreg s3  }
0xa9: {  	[dreg:$0x3] =	wrdreg s5  }
0xaa: {  	[dreg:$0x4] =	wrdreg $0xC0  }
0xab: {  	_ =	task [dreg:s7], $0x5FFFF  }
0xac: {  	[dreg:$0x1] =	wrdreg $0xFFFFFFFF  }
0xad: {  	[dreg:$0x0] =	wrdreg $0x60  }
0xae: {  	[dreg:$0x2] =	wrdreg s24  }
0xaf: {  	[dreg:$0x3] =	wrdreg s2  }
0xb0: {  	[dreg:$0x4] =	wrdreg $0x90000  }
0xb1: {  	[dreg:$0x5] =	wrdreg $0x9  }
0xb2: {  	_ =	task.clear_ibuf [dreg:s7], $0x6FFFF;
	_ =	strace $0x90000049  }
0xb3: {  	s29 =	simm.s32 $0x9;
	_ =	strace $0x8000004B  }
0xb4: {  	_ =	swait.ge [sflag:s29], $0x1  }
0xb5: {  	[sflag:s29] =	ssyncadd.s32 $0xFFFFFFFF  }
0xb6: {  	_ =	strace $0x9000004B  }
0xb7: {  	_ =	sfence  }
0xb8: {  	s30 =	sld [smem:$0x0];
	_ =	sdelay $0x2  }
0xb9: {  	s31 =	sshll.u32 s1, $0xD;
	s1 =	sshrl.u32 s1, $0x2  }
0xba: {  	s3 =	sand.u32 $0x4000, s31;
	s1 =	sadd.s32 s1, s30  }
0xbb: {  	s0 =	sor.u32 s3, s0;
	s1 =	sshll.u32 s1, $0x11  }
0xbc: {  	s0 =	sor.u32 s1, s0  }
0xbd: {  	s0 =	sadd.s32 $0x8F2B, s0  }
0xbe: {  	[sflag:s0] =	ssyncadd.remote.s32 $0x1  }
0xbf: {  	_ =	sfence.sel $0xFFFF  }
0xc0: {  	[dreg:$0x0] =	wrdreg $0xFFFFFFFF;
	(pc) =	sbr.abs _section_cstart, $3  }
0xc1: {  	[dreg:$0x1] =	wrdreg $0xFFFFFFFF  }
0xc2: {  	_ =	task.clear_ibuf [dreg:s7], $0x2FFFF;
	_ =	strace $0x9FFFFFFF  }
0xc3: {  	(tm) =	ssettm $0x7FFFFFFF  }
tec
execute0_lowered:
.L_overlay_start_1:
0x0: {  	(tag) =	ssettag $0x1  }
0x1: {  	s5 =	rddreg [dreg:$0x0]  }
0x2: {  	s9 =	rddreg [dreg:$0x1]  }
0x3: {  	s1 =	rddreg [dreg:$0x2]  }
0x4: {  	s0 =	rddreg [dreg:$0x3];
	s3 =	simm.s32 $0x0;
	s2 =	srdreg.scid  }
0x5: {  	s17 =	simm.s32 $0x5000;
	s18 =	simm.s32 $0x1;
	s6 =	sand.u32 $0x1, s2  }
0x6: {  	s19 =	simm.s32 $0x0;
	s2 =	stileid.u32;
	s7 =	smul.u32 $0x2800, s6  }
0x7: {  	[smem:$0x7FF] =	sst s3;
	s4 =	sadd.s32 $0xC200, s5;
	s8 =	smul.u32 $0x280, s2  }
0x8: {  	s10 =	sadd.s32 $0x2200, s5;
	_ =	strace $0x8000004A;
	s11 =	smul.u32 $0x50000, s2  }
0x9: {  	s20 =	ssub.s32 $0x2, s6;
	s12 =	smul.u32 $0x50000, s6;
	s25 =	sshll.u32 s2, $0x6  }
0xa: {  	s13 =	smul.u32 $0x2800, s2;
	s22 =	sshrl.u32 s20, $0x1;
	s6 =	sor.u32 $0x1C02, s25  }
0xb: {  	s7 =	sadd.s32 s8, s7;
	s15 =	ssub.s32 s20, s22;
	s23 =	sshrl.u32 s11, $0x2  }
0xc: {  	s24 =	sadd.s32 s13, s12;
	s28 =	sadd.s32 $0x28000, s13;
	s30 =	sshrl.u32 s13, $0x3  }
0xd: {  	s21 =	sshll.u32 s7, $0x4;
	s16 =	sadd.s32 s23, s1;
	s26 =	sshrl.u32 s24, $0x3  }
0xe: {  	s29 =	sadd.s32 s12, s28;
	s11 =	sshrl.u32 s28, $0x3;
	s8 =	sadd.s32 s10, s30  }
0xf: {  	s12 =	smax.u32 s15, $0x1;
	s15 =	simm.s32 $0x2800;
	s14 =	sadd.s32 s21, s5  }
0x10: {  	s5 =	sadd.s32 s4, s21;
	s7 =	sadd.s32 s9, s26;
	s31 =	sshrl.u32 s29, $0x3  }
0x11: {  	s10 =	sadd.s32 s10, s11;
	s13 =	sshrl.u32 s16, $0x3;
	s16 =	simm.s32 $0x80  }
0x12: {  	s9 =	sadd.s32 s9, s31;
	s11 =	sadd.s32 $0x5C200, s14;
	s14 =	simm.s32 $0x2  }
.LBB2_1:
0x13: {  	[spmem:s13], [sflag:s6] =	dma.local [hbm:s5], $0x2800  }
0x14: {  	_ =	swait.ge [sflag:s14], $0x2800  }
0x15: {  	[sflag:s14] =	ssyncset.done $0x0  }
0x16: {  	[sflag:s14] =	ssyncadd.s32 $0xFFFFD800  }
0x17: {  	[bflag:$0x0] =	sbarrier.arrive $0xFFFF  }
0x18: {  	[tilespmem:s3], [sflag:$0x2] =	stream.linear.gather [hbm4b:s7+s3], $0x2780, $0x38;
	[tilespmem:$0x1D000] =	vst v63  }
0x19: {  	_ =	swait.ge [sflag:s14], $0x2780  }
0x1a: {  	[sflag:s14] =	ssyncset.done $0x0  }
0x1b: {  	[sflag:s14] =	ssyncadd.s32 $0xFFFFD880  }
0x1c: {  	[tilespmem:s15], [sflag:$0x2] =	stream.linear.gather [hbm4b:s8+s3], $0x2780, $0x38;
	[tilespmem:$0x1D000] =	vst v63  }
0x1d: {  	_ =	swait.ge [sflag:s14], $0x2780  }
0x1e: {  	[sflag:s14] =	ssyncset.done $0x0  }
0x1f: {  	s20 =	simm.s32 $0x0;
	[sflag:s14] =	ssyncadd.s32 $0xFFFFD880  }
0x20: {  	[tilespmem:s17], [sflag:$0x1] =	stream.indirect.gather [hbm4b:s4+s16], $0x80, s20, s16, $0xb8;
	[tilespmem:$0x1D000] =	vst v63  }
0x21: {  	_ =	swait.ge [sflag:s18], $0x4000  }
0x22: {  	[sflag:s18] =	ssyncset.done $0x0  }
0x23: {  	s31 =	simm.s32 $0x2800;
	[sflag:s18] =	ssyncadd.s32 $0xFFFFC000  }
0x24: {  	[spmem:s1] =	stream.indirect.scatter.add.f32 [tilespmem:s17], [sflag:$0x2], $0x80, s31, s16, $0xb8;
	[tilespmem:$0x1D000] =	vst v63  }
0x25: {  	_ =	swait.ge [sflag:s14], $0x4000  }
0x26: {  	s21 =	simm.s32 $0x400;
	s20 =	simm.s32 $0x200;
	[sflag:s14] =	ssyncset.done $0x0  }
.LBB2_2:
0x27: {  	s22 =	sshra.s32 s20, $0x2  }
0x28: {  	[sflag:s14] =	ssyncadd.s32 $0xFFFFC000;
	s20 =	smov.u32 s21;
	s23 =	sadd.s32 $0x200, s21  }
0x29: {  	[tilespmem:s17], [sflag:$0x1] =	stream.indirect.gather [hbm4b:s4+s16], $0x80, s22, s16, $0xb8;
	[tilespmem:$0x1D000] =	vst v63  }
0x2a: {  	p0 =	sne.s32 s21, $0x9C00;
	_ =	swait.ge [sflag:s18], $0x4000  }
.Ltmp0:
0x2b: {  	[sflag:s18] =	ssyncset.done $0x0;
	(pc) =	sbr.rel @p0 .LBB2_2-.Ltmp0, $4  }
0x2c: {  	s21 =	sadd.s32 $0x2800, s22;
	[sflag:s18] =	ssyncadd.s32 $0xFFFFC000  }
0x2d: {  	[spmem:s1] =	stream.indirect.scatter.add.f32 [tilespmem:s17], [sflag:$0x2], $0x80, s21, s16, $0xb8;
	[tilespmem:$0x1D000] =	vst v63  }
0x2e: {  	_ =	swait.ge [sflag:s14], $0x4000  }
0x2f: {  	s21 =	smov.u32 s23;
	[sflag:s14] =	ssyncset.done $0x0  }
0x30: {  	s20 =	sshra.s32 s20, $0x2;
	[sflag:s14] =	ssyncadd.s32 $0xFFFFC000  }
0x31: {  	[tilespmem:s17], [sflag:$0x1] =	stream.indirect.gather [hbm4b:s4+s16], $0x80, s20, s16, $0xb8;
	[tilespmem:$0x1D000] =	vst v63  }
0x32: {  	_ =	swait.ge [sflag:s18], $0x4000  }
0x33: {  	[sflag:s18] =	ssyncset.done $0x0  }
0x34: {  	s20 =	sadd.s32 $0x2800, s20;
	[sflag:s18] =	ssyncadd.s32 $0xFFFFC000  }
0x35: {  	[spmem:s1] =	stream.indirect.scatter.add.f32 [tilespmem:s17], [sflag:$0x2], $0x80, s20, s16, $0xb8;
	[tilespmem:$0x1D000] =	vst v63  }
0x36: {  	_ =	swait.ge [sflag:s14], $0x4000  }
0x37: {  	[sflag:s14] =	ssyncset.done $0x0  }
0x38: {  	s29 =	simm.s32 $0x0;
	[sflag:s14] =	ssyncadd.s32 $0xFFFFC000  }
0x39: {  	[tilespmem:s29], [sflag:$0x2] =	stream.linear.gather [hbm4b:s9+s29], $0x2780, $0x38;
	[tilespmem:$0x1D000] =	vst v63  }
0x3a: {  	_ =	swait.ge [sflag:s14], $0x2780  }
0x3b: {  	[sflag:s14] =	ssyncset.done $0x0  }
0x3c: {  	[sflag:s14] =	ssyncadd.s32 $0xFFFFD880  }
0x3d: {  	[tilespmem:s15], [sflag:$0x2] =	stream.linear.gather [hbm4b:s10+s29], $0x2780, $0x38;
	[tilespmem:$0x1D000] =	vst v63  }
0x3e: {  	_ =	swait.ge [sflag:s14], $0x2780  }
0x3f: {  	[sflag:s14] =	ssyncset.done $0x0  }
0x40: {  	s30 =	simm.s32 $0x0;
	[sflag:s14] =	ssyncadd.s32 $0xFFFFD880  }
0x41: {  	[tilespmem:s17], [sflag:$0x1] =	stream.indirect.gather [hbm4b:s4+s16], $0x80, s30, s16, $0xb8;
	[tilespmem:$0x1D000] =	vst v63  }
0x42: {  	_ =	swait.ge [sflag:s18], $0x4000  }
0x43: {  	[sflag:s18] =	ssyncset.done $0x0  }
0x44: {  	s31 =	simm.s32 $0x2800;
	[sflag:s18] =	ssyncadd.s32 $0xFFFFC000  }
0x45: {  	[spmem:s1] =	stream.indirect.scatter.add.f32 [tilespmem:s17], [sflag:$0x2], $0x80, s31, s16, $0xb8;
	[tilespmem:$0x1D000] =	vst v63  }
0x46: {  	_ =	swait.ge [sflag:s14], $0x4000  }
0x47: {  	s21 =	simm.s32 $0x400;
	s20 =	simm.s32 $0x200;
	[sflag:s14] =	ssyncset.done $0x0  }
.LBB2_4:
0x48: {  	s22 =	sshra.s32 s20, $0x2  }
0x49: {  	[sflag:s14] =	ssyncadd.s32 $0xFFFFC000;
	s20 =	smov.u32 s21;
	s23 =	sadd.s32 $0x200, s21  }
0x4a: {  	[tilespmem:s17], [sflag:$0x1] =	stream.indirect.gather [hbm4b:s4+s16], $0x80, s22, s16, $0xb8;
	[tilespmem:$0x1D000] =	vst v63  }
0x4b: {  	p0 =	sne.s32 s21, $0x9C00;
	_ =	swait.ge [sflag:s18], $0x4000  }
.Ltmp1:
0x4c: {  	[sflag:s18] =	ssyncset.done $0x0;
	(pc) =	sbr.rel @p0 .LBB2_4-.Ltmp1, $4  }
0x4d: {  	s21 =	sadd.s32 $0x2800, s22;
	[sflag:s18] =	ssyncadd.s32 $0xFFFFC000  }
0x4e: {  	[spmem:s1] =	stream.indirect.scatter.add.f32 [tilespmem:s17], [sflag:$0x2], $0x80, s21, s16, $0xb8;
	[tilespmem:$0x1D000] =	vst v63  }
0x4f: {  	_ =	swait.ge [sflag:s14], $0x4000  }
0x50: {  	s21 =	smov.u32 s23;
	[sflag:s14] =	ssyncset.done $0x0  }
0x51: {  	s20 =	sshra.s32 s20, $0x2;
	[sflag:s14] =	ssyncadd.s32 $0xFFFFC000  }
0x52: {  	[tilespmem:s17], [sflag:$0x1] =	stream.indirect.gather [hbm4b:s4+s16], $0x80, s20, s16, $0xb8;
	[tilespmem:$0x1D000] =	vst v63  }
0x53: {  	_ =	swait.ge [sflag:s18], $0x4000  }
0x54: {  	[sflag:s18] =	ssyncset.done $0x0  }
0x55: {  	s20 =	sadd.s32 $0x2800, s20;
	[sflag:s18] =	ssyncadd.s32 $0xFFFFC000  }
0x56: {  	[spmem:s1] =	stream.indirect.scatter.add.f32 [tilespmem:s17], [sflag:$0x2], $0x80, s20, s16, $0xb8;
	[tilespmem:$0x1D000] =	vst v63  }
0x57: {  	_ =	swait.ge [sflag:s14], $0x4000  }
0x58: {  	s19 =	sadd.s32 $0x1, s19;
	[sflag:s14] =	ssyncset.done $0x0  }
0x59: {  	p0 =	sne.s32 s19, s12;
	[sflag:s14] =	ssyncadd.s32 $0xFFFFC000  }
.Ltmp2:
0x5a: {  	[bflag:$0x0] =	sbarrier.arrive $0xFFFF;
	(pc) =	sbr.rel @p0 .LBB2_1-.Ltmp2, $4  }
0x5b: {  	[hbm:s11], [sflag:s6] =	dma.local [spmem:s13], $0x2800  }
0x5c: {  	_ =	swait.ge [sflag:s14], $0x2800  }
0x5d: {  	[sflag:s14] =	ssyncset.done $0x0  }
0x5e: {  	[sflag:s14] =	ssyncadd.s32 $0xFFFFD800  }
0x5f: {  	_ =	sfence.sel $0x180000  }
0x60: {  	[bflag:$0x0] =	sbarrier.arrive $0xFFFF  }
0x61: {  	p0 =	sne.s32 s2, $0x0;
	_ =	strace $0x9000004A  }
0x62: {  	s0 =	sadd.s32 @!p0 $0x100000, s0;
	[bflag:$0x2] =	sbarrier.arrive $0xFFFF  }
0x63: {  	[sflag:s0] =	ssyncadd.tile.s32 @!p0 $0x1;
	_ =	shalt  }
.Lfunc_end2:
_tile_overlayer_lowered:
.L_overlay_start_2:
0x64: {  	(tag) =	ssettag $0x2  }
0x65: {  	s0 =	rddreg [dreg:$0x0];
	s2 =	stileid.u32  }
0x66: {  	s1 =	rddreg [dreg:$0x1];
	p0 =	sne.s32 s2, $0x0  }
0x67: {  	s3 =	rddreg [dreg:$0x2];
	[bflag:$0x3] =	sbarrier.arrive $0xFFFF;
	s2 =	simm.s32 @!p0 $0x1C02  }
0x68: {  	[timem:s3], [sflag:s2] =	dma.local @!p0 [hbm:s0], s1  }
0x69: {  	s0 =	simm.s32 @!p0 $0x2  }
0x6a: {  	_ =	swait.ge @!p0 [sflag:s0], s1  }
0x6b: {  	s1 =	ssub.s32 @!p0 $0x0, s1;
	[sflag:s0] =	ssyncset.done @!p0 $0x0  }
0x6c: {  	[sflag:s0] =	ssyncadd.s32 @!p0 s1  }
0x6d: {  	[bflag:$0x3] =	sbarrier.arrive $0xFFFF  }
0x6e: {  	_ =	shalt  }

// kernel: kernel.14.cloned.1.call-start
scs
__scs_entry_jumppad:
0x0: {  	(pc) =	sbr.rel $0x88, $3  }
0x1: {  	(tag) =	ssettag $0x0;
	lr =	simm.s32 $0x1  }
0x2: {  	[smem:$0x3F9A] =	sst lr;
	_ =	strace $0xD0000000  }
0x3: {  	_ = 	snop  }
0x4: {  	_ = 	snop  }
0x5: {  	_ = 	snop  }
0x6: {  	_ = 	snop  }
0x7: {  	_ = 	snop  }
__scs_overlays_trampoline_lowered:
0x8: {  	[smem:$0x3FA9] =	sst s0  }
0x9: {  	[smem:$0x3FAA] =	sst s1  }
0xa: {  	[smem:$0x3FAB] =	sst s2  }
0xb: {  	[smem:$0x3FAC] =	sst s3  }
0xc: {  	[smem:$0x3FAD] =	sst s4  }
0xd: {  	[smem:$0x3FAE] =	sst s5  }
0xe: {  	[smem:$0x3FAF] =	sst s6  }
0xf: {  	[smem:$0x3FB0] =	sst s7  }
0x10: {  	[smem:$0x3FB1] =	sst s8  }
0x11: {  	[smem:$0x3FB2] =	sst s9;
	s0 =	simm.s32 @!p0 $0x0  }
0x12: {  	s1 =	sld [smem:$0x3F98];
	s0 =	simm.s32 @p0 $0x1  }
0x13: {  	[smem:$0x3FB3] =	sst s0;
	s0 =	simm.s32 @!p1 $0x0  }
0x14: {  	s2 =	sld [smem:$0x3F97];
	s0 =	simm.s32 @p1 $0x1  }
0x15: {  	[smem:$0x3FB4] =	sst s0;
	s0 =	simm.s32 @!p2 $0x0  }
0x16: {  	s3 =	sld [smem:$0x3FDB];
	s0 =	simm.s32 @p2 $0x1  }
0x17: {  	s4 =	simm.s32 $0x1BF5;
	[smem:$0x3FB6] =	sst s0  }
0x18: {  	s0 =	sld [smem:$0x3F99];
	_ =	swait.ge [sflag:s4], $0x0  }
0x19: {  	s7 =	sld [smem:$0x3F9A]  }
0x1a: {  	s8 =	sadd.s32 $0xFFFFE003, lr  }
0x1b: {  	s9 =	sadd.s32 $0xFFFFFEF7, lr;
	s5 =	simm.s32 $0xFFFFFFFF;
	p2 =	slt.u32 s8, $0xFFFFF086  }
0x1c: {  	p1 =	slt.u32 s9, $0xF7A;
	s5 =	simm.s32 @!p2 $0x0  }
0x1d: {  	s5 =	simm.s32 @p1 $0x1;
	p0 =	seq.s32 s7, s2  }
0x1e: {  	s7 =	smul.u32 @!p0 $0xF7A, s2;
	p2 =	seq.s32 @!p0 s5, $0x0  }
0x1f: {  	s9 =	smul.u32 $0xF7A, s1;
	s8 =	simm.s32 @!p0 $0x1BF5;
	p2 =	por !p2, p0  }
0x20: {  	[sflag:s8] =	ssyncset.s32 @!p0 $0xFFFFF086;
	s6 =	sadd.s32 @!p0 s3, s7;
	s7 =	simm.s32 @!p0 $0x108  }
0x21: {  	s3 =	sadd.s32 s3, s9;
	s6 =	sadd.s32 @!p0 $0x88, s6;
	s7 =	simm.s32 @p2 $0x1082  }
0x22: {  	[simem:s7], [sflag:s8] =	dma.local @!p0 [hbm:s6], $0xF7A  }
0x23: {  	s9 =	sor.u32 $0xD0000000, s2;
	s6 =	simm.s32 $0x108;
	_ =	swait.ge @!p0 [sflag:s8], $0x0  }
0x24: {  	s3 =	sadd.s32 $0x88, s3;
	s6 =	simm.s32 @!p1 $0x1082;
	[sflag:s4] =	ssyncset.s32 $0xFFFFF086  }
0x25: {  	[simem:s6], [sflag:s4] =	dma.local [hbm:s3], $0xF7A  }
0x26: {  	[smem:$0x3F9A] =	sst s1;
	(tag) =	ssettag s2;
	_ =	strace s9  }
0x27: {  	s1 =	sld [smem:$0x3FAA]  }
0x28: {  	s2 =	sld [smem:$0x3FAB]  }
0x29: {  	s4 =	sld [smem:$0x3FAD]  }
0x2a: {  	p0 =	seq.s32 s5, $0x0;
	s5 =	sld [smem:$0x3FAE]  }
0x2b: {  	s6 =	sld [smem:$0x3FAF]  }
0x2c: {  	s7 =	sld [smem:$0x3FB0]  }
0x2d: {  	s3 =	simm.s32 $0x108;
	s8 =	sld [smem:$0x3FB1]  }
0x2e: {  	s3 =	simm.s32 @!p0 $0x1082;
	s9 =	sld [smem:$0x3FB2]  }
0x2f: {  	lr =	sadd.s32 s0, s3;
	s0 =	sld [smem:$0x3FA9]  }
0x30: {  	s3 =	sld [smem:$0x3FAC]  }
0x31: {  	[smem:$0x3FB5] =	sst s10  }
0x32: {  	s10 =	sld [smem:$0x3FB3];
	_ =	sdelay $0x3  }
0x33: {  	p0 =	seq.s32 s10, $0x1;
	s10 =	sld [smem:$0x3FB5];
	_ =	sdelay $0x3  }
0x34: {  	[smem:$0x3FB5] =	sst s10  }
0x35: {  	s10 =	sld [smem:$0x3FB4];
	_ =	sdelay $0x3  }
0x36: {  	p1 =	seq.s32 s10, $0x1;
	s10 =	sld [smem:$0x3FB5];
	_ =	sdelay $0x3  }
0x37: {  	[smem:$0x3FB5] =	sst s10  }
0x38: {  	s10 =	sld [smem:$0x3FB6]  }
0x39: {  	_ = 	snop;
	(pc) =	sbr.ind lr, $3  }
0x3a: {  	_ = 	snop  }
0x3b: {  	_ = 	snop  }
0x3c: {  	p2 =	seq.s32 s10, $0x1;
	s10 =	sld [smem:$0x3FB5]  }
0x3d: {  	_ =	shalt  }
0x3e: {  	_ =	shalt  }
0x3f: {  	_ =	shalt  }
0x40: {  	_ =	shalt  }
0x41: {  	_ =	shalt  }
0x42: {  	_ =	shalt  }
0x43: {  	_ =	shalt  }
0x44: {  	_ =	shalt  }
0x45: {  	_ =	shalt  }
0x46: {  	_ =	shalt  }
0x47: {  	_ =	shalt  }
0x48: {  	_ =	shalt  }
0x49: {  	_ =	shalt  }
0x4a: {  	_ =	shalt  }
0x4b: {  	_ =	shalt  }
0x4c: {  	_ =	shalt  }
0x4d: {  	_ =	shalt  }
0x4e: {  	_ =	shalt  }
0x4f: {  	_ =	shalt  }
0x50: {  	_ =	shalt  }
0x51: {  	_ =	shalt  }
0x52: {  	_ =	shalt  }
0x53: {  	_ =	shalt  }
0x54: {  	_ =	shalt  }
0x55: {  	_ =	shalt  }
0x56: {  	_ =	shalt  }
0x57: {  	_ =	shalt  }
0x58: {  	_ =	shalt  }
0x59: {  	_ =	shalt  }
0x5a: {  	_ =	shalt  }
0x5b: {  	_ =	shalt  }
0x5c: {  	_ =	shalt  }
0x5d: {  	_ =	shalt  }
0x5e: {  	_ =	shalt  }
0x5f: {  	_ =	shalt  }
0x60: {  	_ =	shalt  }
0x61: {  	_ =	shalt  }
0x62: {  	_ =	shalt  }
0x63: {  	_ =	shalt  }
0x64: {  	_ =	shalt  }
0x65: {  	_ =	shalt  }
0x66: {  	_ =	shalt  }
0x67: {  	_ =	shalt  }
0x68: {  	_ =	shalt  }
0x69: {  	_ =	shalt  }
0x6a: {  	_ =	shalt  }
0x6b: {  	_ =	shalt  }
0x6c: {  	_ =	shalt  }
0x6d: {  	_ =	shalt  }
0x6e: {  	_ =	shalt  }
0x6f: {  	_ =	shalt  }
0x70: {  	_ =	shalt  }
0x71: {  	_ =	shalt  }
0x72: {  	_ =	shalt  }
0x73: {  	_ =	shalt  }
0x74: {  	_ =	shalt  }
0x75: {  	_ =	shalt  }
0x76: {  	_ =	shalt  }
0x77: {  	_ =	shalt  }
0x78: {  	_ =	shalt  }
0x79: {  	_ =	shalt  }
0x7a: {  	_ =	shalt  }
0x7b: {  	_ =	shalt  }
0x7c: {  	_ =	shalt  }
0x7d: {  	_ =	shalt  }
0x7e: {  	_ =	shalt  }
0x7f: {  	_ =	shalt  }
0x80: {  	_ =	shalt  }
0x81: {  	_ =	shalt  }
0x82: {  	_ =	shalt  }
0x83: {  	_ =	shalt  }
0x84: {  	_ =	shalt  }
0x85: {  	_ =	shalt  }
0x86: {  	_ =	shalt  }
0x87: {  	_ =	shalt  }
.Lfunc_end0:
.L_simem_size_0:
called_computation.2_lowered:
.L_overlay_start_0:
0x88: {  	s2 =	sld [smem:$0x3FD9]  }
0x89: {  	s3 =	sld [smem:$0x3FFE];
	_ =	sdelay $0x1  }
0x8a: {  	s1 =	srdreg.scid  }
0x8b: {  	s0 =	sand.u32 $0x1, s1  }
0x8c: {  	s16 =	sshll.u32 s0, $0xA;
	s2 =	sadd.s32 s3, s2  }
0x8d: {  	s2 =	sadd.s32 s2, s16  }
0x8e: {  	[smem:$0x3FC1] =	sst s2  }
0x8f: {  	_ = 	snop  }
0x90: {  	(tm) =	ssettm $0x1  }
0x91: {  	s17 =	sld [smem:$0x3FFB];
	_ =	sdelay $0x3  }
0x92: {  	_ =	strace s17  }
0x93: {  	s2 =	sld [smem:$0x3FFC];
	_ =	sdelay $0x3  }
0x94: {  	_ =	strace s2  }
0x95: {  	s2 =	sld [smem:$0x3FFD];
	_ =	sdelay $0x3  }
0x96: {  	_ =	strace s2  }
0x97: {  	_ =	strace $0x8FFFFFFF  }
0x98: {  	s18 =	sld [smem:$0x3FDB];
	_ =	sdelay $0x1  }
0x99: {  	s19 =	simm.s32 $_scs_section_size  }
0x9a: {  	s4 =	simm.s32 $_size__tile_overlayer_lowered;
	s5 =	simm.s32 $_tile_overlayer_lowered  }
0x9b: {  	s22 =	simm.s32 $0x1BFF;
	s21 =	sshll.u32 s5, $0x1;
	s2 =	sadd.s32 s19, s18  }
0x9c: {  	s6 =	simm.s32 $0x0;
	s20 =	sshll.u32 s4, $0x1;
	s4 =	sadd.s32 s21, s2  }
0x9d: {  	[timem:s6], [sflag:s22] =	dma.local [hbm:s4], s20  }
0x9e: {  	_ =	swait.ge [sflag:s22], s20  }
0x9f: {  	s3 =	ssub.s32 $0x0, s20;
	[sflag:s22] =	ssyncset.done $0x0  }
0xa0: {  	[sflag:s22] =	ssyncadd.s32 s3;
	_ =	sdelay $0x1  }
0xa1: {  	s23 =	simm.s32 $0x1B8B  }
0xa2: {  	_ =	swait.ge [sflag:s23], $0x1  }
0xa3: {  	[sflag:s23] =	ssyncset.done $0x0  }
0xa4: {  	s25 =	simm.s32 $0x1B8E;
	s24 =	sld [smem:$0x3FFE];
	[sflag:s23] =	ssyncadd.s32 $0xFFFFFFFF  }
0xa5: {  	s26 =	simm.s32 $execute0_lowered;
	[smem:$0x3FD2] =	sst s25  }
0xa6: {  	s4 =	sshll.u32 s26, $0x1;
	_ =	strace $0x8000004C;
	[dreg:$0x1] =	wrdreg $0xFFFFFFFF  }
0xa7: {  	s28 =	simm.s32 $_size_execute0_lowered;
	s2 =	sadd.s32 s2, s4;
	[dreg:$0x0] =	wrdreg $0x0  }
0xa8: {  	s4 =	sshll.u32 s28, $0x1;
	[dreg:$0x2] =	wrdreg s2  }
0xa9: {  	[dreg:$0x3] =	wrdreg s4  }
0xaa: {  	[dreg:$0x4] =	wrdreg $0xC0  }
0xab: {  	_ =	task [dreg:s6], $0x5FFFF  }
0xac: {  	[dreg:$0x1] =	wrdreg $0xFFFFFFFF  }
0xad: {  	[dreg:$0x0] =	wrdreg $0x60  }
0xae: {  	[dreg:$0x2] =	wrdreg s24  }
0xaf: {  	[dreg:$0x3] =	wrdreg $0x90000  }
0xb0: {  	[dreg:$0x4] =	wrdreg $0x9  }
0xb1: {  	_ =	task.clear_ibuf [dreg:s6], $0x5FFFF;
	_ =	strace $0x9000004C  }
0xb2: {  	s29 =	simm.s32 $0x9;
	_ =	strace $0x8000004E  }
0xb3: {  	_ =	swait.ge [sflag:s29], $0x1  }
0xb4: {  	[sflag:s29] =	ssyncadd.s32 $0xFFFFFFFF  }
0xb5: {  	_ =	strace $0x9000004E  }
0xb6: {  	_ =	sfence  }
0xb7: {  	s30 =	sld [smem:$0x0];
	_ =	sdelay $0x2  }
0xb8: {  	s31 =	sshll.u32 s1, $0xD;
	s1 =	sshrl.u32 s1, $0x2  }
0xb9: {  	s3 =	sand.u32 $0x4000, s31;
	s1 =	sadd.s32 s1, s30  }
0xba: {  	s0 =	sor.u32 s3, s0;
	s1 =	sshll.u32 s1, $0x11  }
0xbb: {  	s0 =	sor.u32 s1, s0  }
0xbc: {  	s0 =	sadd.s32 $0x8F2B, s0  }
0xbd: {  	[sflag:s0] =	ssyncadd.remote.s32 $0x1  }
0xbe: {  	_ =	sfence.sel $0xFFFF  }
0xbf: {  	[dreg:$0x0] =	wrdreg $0xFFFFFFFF;
	(pc) =	sbr.abs _section_cstart, $3  }
0xc0: {  	[dreg:$0x1] =	wrdreg $0xFFFFFFFF  }
0xc1: {  	_ =	task.clear_ibuf [dreg:s6], $0x2FFFF;
	_ =	strace $0x9FFFFFFF  }
0xc2: {  	(tm) =	ssettm $0x7FFFFFFF  }
0xc3: {  	_ =	shalt  }
tec
execute0_lowered:
.L_overlay_start_1:
0x0: {  	(tag) =	ssettag $0x1  }
0x1: {  	s5 =	rddreg [dreg:$0x0]  }
0x2: {  	s2 =	rddreg [dreg:$0x1]  }
0x3: {  	s0 =	rddreg [dreg:$0x2];
	s4 =	srdreg.scid  }
0x4: {  	s1 =	stileid.u32;
	s3 =	simm.s32 $0x0;
	s14 =	simm.s32 $0x80  }
0x5: {  	s15 =	simm.s32 $0x5000;
	s16 =	simm.s32 $0x1;
	s17 =	simm.s32 $0x0  }
0x6: {  	s6 =	sand.u32 $0x1, s4;
	s7 =	smul.u32 $0x14000, s1;
	[smem:$0x7FF] =	sst s3  }
0x7: {  	s10 =	smul.u32 $0x50000, s1;
	s31 =	sshll.u32 s1, $0x6;
	s4 =	sshll.u32 s6, $0x4  }
0x8: {  	s8 =	smul.u32 $0x140000, s6;
	_ =	strace $0x8000004D;
	s6 =	ssub.s32 $0x2, s6  }
0x9: {  	s9 =	sor.u32 s1, s4;
	s4 =	sadd.s32 $0xC200, s5;
	s28 =	sshrl.u32 s6, $0x1  }
0xa: {  	s29 =	sshrl.u32 s10, $0x2;
	s30 =	sshrl.u32 s7, $0x3;
	s9 =	smul.u32 $0x500, s9  }
0xb: {  	s8 =	sadd.s32 s7, s8;
	s12 =	ssub.s32 s6, s28;
	s13 =	sadd.s32 s29, s2  }
0xc: {  	s6 =	sor.u32 $0x1C02, s31;
	s8 =	sshrl.u32 s8, $0x3;
	s10 =	smax.u32 s12, $0x1  }
0xd: {  	s12 =	simm.s32 $0x2;
	s9 =	sadd.s32 s9, s5;
	s11 =	sadd.s32 s8, s5  }
0xe: {  	s5 =	sadd.s32 s4, s30;
	s7 =	sadd.s32 $0xAC200, s9;
	s8 =	sadd.s32 $0x2200, s9  }
0xf: {  	s9 =	sadd.s32 $0x34200, s11;
	s11 =	sshrl.u32 s13, $0x3;
	s13 =	simm.s32 $0x2800  }
.LBB2_1:
0x10: {  	[spmem:s11], [sflag:s6] =	dma.local [hbm:s5], $0x2800  }
0x11: {  	_ =	swait.ge [sflag:s12], $0x2800  }
0x12: {  	[sflag:s12] =	ssyncset.done $0x0  }
0x13: {  	[sflag:s12] =	ssyncadd.s32 $0xFFFFD800  }
0x14: {  	[bflag:$0x0] =	sbarrier.arrive $0xFFFF  }
0x15: {  	[tilespmem:s3], [sflag:$0x2] =	stream.linear.gather [hbm4b:s7+s3], $0x2780, $0x38;
	[tilespmem:$0x1D000] =	vst v63  }
0x16: {  	_ =	swait.ge [sflag:s12], $0x2780  }
0x17: {  	[sflag:s12] =	ssyncset.done $0x0  }
0x18: {  	[sflag:s12] =	ssyncadd.s32 $0xFFFFD880  }
0x19: {  	[tilespmem:s13], [sflag:$0x2] =	stream.linear.gather [hbm4b:s8+s3], $0x2780, $0x38;
	[tilespmem:$0x1D000] =	vst v63  }
0x1a: {  	_ =	swait.ge [sflag:s12], $0x2780  }
0x1b: {  	[sflag:s12] =	ssyncset.done $0x0  }
0x1c: {  	s18 =	simm.s32 $0x0;
	[sflag:s12] =	ssyncadd.s32 $0xFFFFD880  }
0x1d: {  	[tilespmem:s15], [sflag:$0x1] =	stream.indirect.gather [hbm4b:s4+s14], $0x80, s18, s14, $0xb8;
	[tilespmem:$0x1D000] =	vst v63  }
0x1e: {  	_ =	swait.ge [sflag:s16], $0x4000  }
0x1f: {  	[sflag:s16] =	ssyncset.done $0x0  }
0x20: {  	s31 =	simm.s32 $0x2800;
	[sflag:s16] =	ssyncadd.s32 $0xFFFFC000  }
0x21: {  	[spmem:s2] =	stream.indirect.scatter.add.f32 [tilespmem:s15], [sflag:$0x2], $0x80, s31, s14, $0xb8;
	[tilespmem:$0x1D000] =	vst v63  }
0x22: {  	_ =	swait.ge [sflag:s12], $0x4000  }
0x23: {  	s19 =	simm.s32 $0x400;
	s18 =	simm.s32 $0x200;
	[sflag:s12] =	ssyncset.done $0x0  }
.LBB2_2:
0x24: {  	s20 =	sshra.s32 s18, $0x2  }
0x25: {  	[sflag:s12] =	ssyncadd.s32 $0xFFFFC000;
	s18 =	smov.u32 s19;
	s21 =	sadd.s32 $0x200, s19  }
0x26: {  	[tilespmem:s15], [sflag:$0x1] =	stream.indirect.gather [hbm4b:s4+s14], $0x80, s20, s14, $0xb8;
	[tilespmem:$0x1D000] =	vst v63  }
0x27: {  	p0 =	sne.s32 s19, $0x9C00;
	_ =	swait.ge [sflag:s16], $0x4000  }
.Ltmp0:
0x28: {  	[sflag:s16] =	ssyncset.done $0x0;
	(pc) =	sbr.rel @p0 .LBB2_2-.Ltmp0, $4  }
0x29: {  	s19 =	sadd.s32 $0x2800, s20;
	[sflag:s16] =	ssyncadd.s32 $0xFFFFC000  }
0x2a: {  	[spmem:s2] =	stream.indirect.scatter.add.f32 [tilespmem:s15], [sflag:$0x2], $0x80, s19, s14, $0xb8;
	[tilespmem:$0x1D000] =	vst v63  }
0x2b: {  	_ =	swait.ge [sflag:s12], $0x4000  }
0x2c: {  	s19 =	smov.u32 s21;
	[sflag:s12] =	ssyncset.done $0x0  }
0x2d: {  	s18 =	sshra.s32 s18, $0x2;
	[sflag:s12] =	ssyncadd.s32 $0xFFFFC000  }
0x2e: {  	[tilespmem:s15], [sflag:$0x1] =	stream.indirect.gather [hbm4b:s4+s14], $0x80, s18, s14, $0xb8;
	[tilespmem:$0x1D000] =	vst v63  }
0x2f: {  	_ =	swait.ge [sflag:s16], $0x4000  }
0x30: {  	[sflag:s16] =	ssyncset.done $0x0  }
0x31: {  	s18 =	sadd.s32 $0x2800, s18;
	[sflag:s16] =	ssyncadd.s32 $0xFFFFC000  }
0x32: {  	[spmem:s2] =	stream.indirect.scatter.add.f32 [tilespmem:s15], [sflag:$0x2], $0x80, s18, s14, $0xb8;
	[tilespmem:$0x1D000] =	vst v63  }
0x33: {  	_ =	swait.ge [sflag:s12], $0x4000  }
0x34: {  	s17 =	sadd.s32 $0x1, s17;
	[sflag:s12] =	ssyncset.done $0x0  }
0x35: {  	p0 =	sne.s32 s17, s10;
	[sflag:s12] =	ssyncadd.s32 $0xFFFFC000  }
.Ltmp1:
0x36: {  	[bflag:$0x0] =	sbarrier.arrive $0xFFFF;
	(pc) =	sbr.rel @p0 .LBB2_1-.Ltmp1, $4  }
0x37: {  	[hbm:s9], [sflag:s6] =	dma.local [spmem:s11], $0x2800  }
0x38: {  	_ =	swait.ge [sflag:s12], $0x2800  }
0x39: {  	[sflag:s12] =	ssyncset.done $0x0  }
0x3a: {  	[sflag:s12] =	ssyncadd.s32 $0xFFFFD800  }
0x3b: {  	_ =	sfence.sel $0x180000  }
0x3c: {  	[bflag:$0x0] =	sbarrier.arrive $0xFFFF  }
0x3d: {  	p0 =	sne.s32 s1, $0x0;
	_ =	strace $0x9000004D  }
0x3e: {  	s0 =	sadd.s32 @!p0 $0x100000, s0;
	[bflag:$0x2] =	sbarrier.arrive $0xFFFF  }
0x3f: {  	[sflag:s0] =	ssyncadd.tile.s32 @!p0 $0x1;
	_ =	shalt  }
.Lfunc_end2:
_tile_overlayer_lowered:
.L_overlay_start_2:
0x40: {  	(tag) =	ssettag $0x2  }
0x41: {  	s0 =	rddreg [dreg:$0x0];
	s2 =	stileid.u32  }
0x42: {  	s1 =	rddreg [dreg:$0x1];
	p0 =	sne.s32 s2, $0x0  }
0x43: {  	s3 =	rddreg [dreg:$0x2];
	[bflag:$0x3] =	sbarrier.arrive $0xFFFF;
	s2 =	simm.s32 @!p0 $0x1C02  }
0x44: {  	[timem:s3], [sflag:s2] =	dma.local @!p0 [hbm:s0], s1  }
0x45: {  	s0 =	simm.s32 @!p0 $0x2  }
0x46: {  	_ =	swait.ge @!p0 [sflag:s0], s1  }
0x47: {  	s1 =	ssub.s32 @!p0 $0x0, s1;
	[sflag:s0] =	ssyncset.done @!p0 $0x0  }
0x48: {  	[sflag:s0] =	ssyncadd.s32 @!p0 s1  }
0x49: {  	[bflag:$0x3] =	sbarrier.arrive $0xFFFF  }
0x4a: {  	_ =	shalt  }

// kernel: kernel.8.cloned.1.call-start
scs
__scs_entry_jumppad:
0x0: {  	(pc) =	sbr.rel $0x88, $3  }
0x1: {  	(tag) =	ssettag $0x0;
	lr =	simm.s32 $0x1  }
0x2: {  	[smem:$0x3F9A] =	sst lr;
	_ =	strace $0xD0000000  }
0x3: {  	_ = 	snop  }
0x4: {  	_ = 	snop  }
0x5: {  	_ = 	snop  }
0x6: {  	_ = 	snop  }
0x7: {  	_ = 	snop  }
__scs_overlays_trampoline_lowered:
0x8: {  	[smem:$0x3FA9] =	sst s0  }
0x9: {  	[smem:$0x3FAA] =	sst s1  }
0xa: {  	[smem:$0x3FAB] =	sst s2  }
0xb: {  	[smem:$0x3FAC] =	sst s3  }
0xc: {  	[smem:$0x3FAD] =	sst s4  }
0xd: {  	[smem:$0x3FAE] =	sst s5  }
0xe: {  	[smem:$0x3FAF] =	sst s6  }
0xf: {  	[smem:$0x3FB0] =	sst s7  }
0x10: {  	[smem:$0x3FB1] =	sst s8  }
0x11: {  	[smem:$0x3FB2] =	sst s9;
	s0 =	simm.s32 @!p0 $0x0  }
0x12: {  	s1 =	sld [smem:$0x3F98];
	s0 =	simm.s32 @p0 $0x1  }
0x13: {  	[smem:$0x3FB3] =	sst s0;
	s0 =	simm.s32 @!p1 $0x0  }
0x14: {  	s2 =	sld [smem:$0x3F97];
	s0 =	simm.s32 @p1 $0x1  }
0x15: {  	[smem:$0x3FB4] =	sst s0;
	s0 =	simm.s32 @!p2 $0x0  }
0x16: {  	s3 =	sld [smem:$0x3FDB];
	s0 =	simm.s32 @p2 $0x1  }
0x17: {  	s4 =	simm.s32 $0x1BF5;
	[smem:$0x3FB6] =	sst s0  }
0x18: {  	s0 =	sld [smem:$0x3F99];
	_ =	swait.ge [sflag:s4], $0x0  }
0x19: {  	s7 =	sld [smem:$0x3F9A]  }
0x1a: {  	s8 =	sadd.s32 $0xFFFFE003, lr  }
0x1b: {  	s9 =	sadd.s32 $0xFFFFFEF7, lr;
	s5 =	simm.s32 $0xFFFFFFFF;
	p2 =	slt.u32 s8, $0xFFFFF086  }
0x1c: {  	p1 =	slt.u32 s9, $0xF7A;
	s5 =	simm.s32 @!p2 $0x0  }
0x1d: {  	s5 =	simm.s32 @p1 $0x1;
	p0 =	seq.s32 s7, s2  }
0x1e: {  	s7 =	smul.u32 @!p0 $0xF7A, s2;
	p2 =	seq.s32 @!p0 s5, $0x0  }
0x1f: {  	s9 =	smul.u32 $0xF7A, s1;
	s8 =	simm.s32 @!p0 $0x1BF5;
	p2 =	por !p2, p0  }
0x20: {  	[sflag:s8] =	ssyncset.s32 @!p0 $0xFFFFF086;
	s6 =	sadd.s32 @!p0 s3, s7;
	s7 =	simm.s32 @!p0 $0x108  }
0x21: {  	s3 =	sadd.s32 s3, s9;
	s6 =	sadd.s32 @!p0 $0x88, s6;
	s7 =	simm.s32 @p2 $0x1082  }
0x22: {  	[simem:s7], [sflag:s8] =	dma.local @!p0 [hbm:s6], $0xF7A  }
0x23: {  	s9 =	sor.u32 $0xD0000000, s2;
	s6 =	simm.s32 $0x108;
	_ =	swait.ge @!p0 [sflag:s8], $0x0  }
0x24: {  	s3 =	sadd.s32 $0x88, s3;
	s6 =	simm.s32 @!p1 $0x1082;
	[sflag:s4] =	ssyncset.s32 $0xFFFFF086  }
0x25: {  	[simem:s6], [sflag:s4] =	dma.local [hbm:s3], $0xF7A  }
0x26: {  	[smem:$0x3F9A] =	sst s1;
	(tag) =	ssettag s2;
	_ =	strace s9  }
0x27: {  	s1 =	sld [smem:$0x3FAA]  }
0x28: {  	s2 =	sld [smem:$0x3FAB]  }
0x29: {  	s4 =	sld [smem:$0x3FAD]  }
0x2a: {  	p0 =	seq.s32 s5, $0x0;
	s5 =	sld [smem:$0x3FAE]  }
0x2b: {  	s6 =	sld [smem:$0x3FAF]  }
0x2c: {  	s7 =	sld [smem:$0x3FB0]  }
0x2d: {  	s3 =	simm.s32 $0x108;
	s8 =	sld [smem:$0x3FB1]  }
0x2e: {  	s3 =	simm.s32 @!p0 $0x1082;
	s9 =	sld [smem:$0x3FB2]  }
0x2f: {  	lr =	sadd.s32 s0, s3;
	s0 =	sld [smem:$0x3FA9]  }
0x30: {  	s3 =	sld [smem:$0x3FAC]  }
0x31: {  	[smem:$0x3FB5] =	sst s10  }
0x32: {  	s10 =	sld [smem:$0x3FB3];
	_ =	sdelay $0x3  }
0x33: {  	p0 =	seq.s32 s10, $0x1;
	s10 =	sld [smem:$0x3FB5];
	_ =	sdelay $0x3  }
0x34: {  	[smem:$0x3FB5] =	sst s10  }
0x35: {  	s10 =	sld [smem:$0x3FB4];
	_ =	sdelay $0x3  }
0x36: {  	p1 =	seq.s32 s10, $0x1;
	s10 =	sld [smem:$0x3FB5];
	_ =	sdelay $0x3  }
0x37: {  	[smem:$0x3FB5] =	sst s10  }
0x38: {  	s10 =	sld [smem:$0x3FB6]  }
0x39: {  	_ = 	snop;
	(pc) =	sbr.ind lr, $3  }
0x3a: {  	_ = 	snop  }
0x3b: {  	_ = 	snop  }
0x3c: {  	p2 =	seq.s32 s10, $0x1;
	s10 =	sld [smem:$0x3FB5]  }
0x3d: {  	_ =	shalt  }
0x3e: {  	_ =	shalt  }
0x3f: {  	_ =	shalt  }
0x40: {  	_ =	shalt  }
0x41: {  	_ =	shalt  }
0x42: {  	_ =	shalt  }
0x43: {  	_ =	shalt  }
0x44: {  	_ =	shalt  }
0x45: {  	_ =	shalt  }
0x46: {  	_ =	shalt  }
0x47: {  	_ =	shalt  }
0x48: {  	_ =	shalt  }
0x49: {  	_ =	shalt  }
0x4a: {  	_ =	shalt  }
0x4b: {  	_ =	shalt  }
0x4c: {  	_ =	shalt  }
0x4d: {  	_ =	shalt  }
0x4e: {  	_ =	shalt  }
0x4f: {  	_ =	shalt  }
0x50: {  	_ =	shalt  }
0x51: {  	_ =	shalt  }
0x52: {  	_ =	shalt  }
0x53: {  	_ =	shalt  }
0x54: {  	_ =	shalt  }
0x55: {  	_ =	shalt  }
0x56: {  	_ =	shalt  }
0x57: {  	_ =	shalt  }
0x58: {  	_ =	shalt  }
0x59: {  	_ =	shalt  }
0x5a: {  	_ =	shalt  }
0x5b: {  	_ =	shalt  }
0x5c: {  	_ =	shalt  }
0x5d: {  	_ =	shalt  }
0x5e: {  	_ =	shalt  }
0x5f: {  	_ =	shalt  }
0x60: {  	_ =	shalt  }
0x61: {  	_ =	shalt  }
0x62: {  	_ =	shalt  }
0x63: {  	_ =	shalt  }
0x64: {  	_ =	shalt  }
0x65: {  	_ =	shalt  }
0x66: {  	_ =	shalt  }
0x67: {  	_ =	shalt  }
0x68: {  	_ =	shalt  }
0x69: {  	_ =	shalt  }
0x6a: {  	_ =	shalt  }
0x6b: {  	_ =	shalt  }
0x6c: {  	_ =	shalt  }
0x6d: {  	_ =	shalt  }
0x6e: {  	_ =	shalt  }
0x6f: {  	_ =	shalt  }
0x70: {  	_ =	shalt  }
0x71: {  	_ =	shalt  }
0x72: {  	_ =	shalt  }
0x73: {  	_ =	shalt  }
0x74: {  	_ =	shalt  }
0x75: {  	_ =	shalt  }
0x76: {  	_ =	shalt  }
0x77: {  	_ =	shalt  }
0x78: {  	_ =	shalt  }
0x79: {  	_ =	shalt  }
0x7a: {  	_ =	shalt  }
0x7b: {  	_ =	shalt  }
0x7c: {  	_ =	shalt  }
0x7d: {  	_ =	shalt  }
0x7e: {  	_ =	shalt  }
0x7f: {  	_ =	shalt  }
0x80: {  	_ =	shalt  }
0x81: {  	_ =	shalt  }
0x82: {  	_ =	shalt  }
0x83: {  	_ =	shalt  }
0x84: {  	_ =	shalt  }
0x85: {  	_ =	shalt  }
0x86: {  	_ =	shalt  }
0x87: {  	_ =	shalt  }
.Lfunc_end0:
.L_simem_size_0:
called_computation_lowered:
.L_overlay_start_0:
0x88: {  	s2 =	sld [smem:$0x3FD9]  }
0x89: {  	s3 =	sld [smem:$0x3FFE];
	_ =	sdelay $0x1  }
0x8a: {  	s1 =	srdreg.scid  }
0x8b: {  	s0 =	sand.u32 $0x1, s1  }
0x8c: {  	s16 =	sshll.u32 s0, $0xA;
	s2 =	sadd.s32 s3, s2  }
0x8d: {  	s2 =	sadd.s32 s2, s16  }
0x8e: {  	[smem:$0x3FC1] =	sst s2  }
0x8f: {  	_ = 	snop  }
0x90: {  	(tm) =	ssettm $0x1  }
0x91: {  	s17 =	sld [smem:$0x3FFB];
	_ =	sdelay $0x3  }
0x92: {  	_ =	strace s17  }
0x93: {  	s2 =	sld [smem:$0x3FFC];
	_ =	sdelay $0x3  }
0x94: {  	_ =	strace s2  }
0x95: {  	s2 =	sld [smem:$0x3FFD];
	_ =	sdelay $0x3  }
0x96: {  	_ =	strace s2  }
0x97: {  	_ =	strace $0x8FFFFFFF  }
0x98: {  	s18 =	sld [smem:$0x3FDB];
	_ =	sdelay $0x1  }
0x99: {  	s19 =	simm.s32 $_scs_section_size  }
0x9a: {  	s4 =	simm.s32 $_size__tile_overlayer_lowered;
	s5 =	simm.s32 $_tile_overlayer_lowered  }
0x9b: {  	s22 =	simm.s32 $0x1BFF;
	s21 =	sshll.u32 s5, $0x1;
	s2 =	sadd.s32 s19, s18  }
0x9c: {  	s6 =	simm.s32 $0x0;
	s20 =	sshll.u32 s4, $0x1;
	s4 =	sadd.s32 s21, s2  }
0x9d: {  	[timem:s6], [sflag:s22] =	dma.local [hbm:s4], s20  }
0x9e: {  	_ =	swait.ge [sflag:s22], s20  }
0x9f: {  	s3 =	ssub.s32 $0x0, s20;
	[sflag:s22] =	ssyncset.done $0x0  }
0xa0: {  	[sflag:s22] =	ssyncadd.s32 s3;
	_ =	sdelay $0x1  }
0xa1: {  	s23 =	simm.s32 $0x1B8B  }
0xa2: {  	_ =	swait.ge [sflag:s23], $0x1  }
0xa3: {  	[sflag:s23] =	ssyncset.done $0x0  }
0xa4: {  	s25 =	simm.s32 $0x1B8E;
	s24 =	sld [smem:$0x3FFE];
	[sflag:s23] =	ssyncadd.s32 $0xFFFFFFFF  }
0xa5: {  	s26 =	simm.s32 $execute0_lowered;
	[smem:$0x3FD2] =	sst s25  }
0xa6: {  	s4 =	sshll.u32 s26, $0x1;
	_ =	strace $0x80000046;
	[dreg:$0x1] =	wrdreg $0xFFFFFFFF  }
0xa7: {  	s28 =	simm.s32 $_size_execute0_lowered;
	s2 =	sadd.s32 s2, s4;
	[dreg:$0x0] =	wrdreg $0x0  }
0xa8: {  	s4 =	sshll.u32 s28, $0x1;
	[dreg:$0x2] =	wrdreg s2  }
0xa9: {  	[dreg:$0x3] =	wrdreg s4  }
0xaa: {  	[dreg:$0x4] =	wrdreg $0xC0  }
0xab: {  	_ =	task [dreg:s6], $0x5FFFF  }
0xac: {  	[dreg:$0x1] =	wrdreg $0xFFFFFFFF  }
0xad: {  	[dreg:$0x0] =	wrdreg $0x60  }
0xae: {  	[dreg:$0x2] =	wrdreg s24  }
0xaf: {  	[dreg:$0x3] =	wrdreg $0x9  }
0xb0: {  	_ =	task.clear_ibuf [dreg:s6], $0x4FFFF;
	_ =	strace $0x90000046  }
0xb1: {  	s29 =	simm.s32 $0x9;
	_ =	strace $0x80000048  }
0xb2: {  	_ =	swait.ge [sflag:s29], $0x1  }
0xb3: {  	[sflag:s29] =	ssyncadd.s32 $0xFFFFFFFF  }
0xb4: {  	_ =	strace $0x90000048  }
0xb5: {  	_ =	sfence  }
0xb6: {  	s30 =	sld [smem:$0x0];
	_ =	sdelay $0x2  }
0xb7: {  	s31 =	sshll.u32 s1, $0xD;
	s1 =	sshrl.u32 s1, $0x2  }
0xb8: {  	s3 =	sand.u32 $0x4000, s31;
	s1 =	sadd.s32 s1, s30  }
0xb9: {  	s0 =	sor.u32 s3, s0;
	s1 =	sshll.u32 s1, $0x11  }
0xba: {  	s0 =	sor.u32 s1, s0  }
0xbb: {  	s0 =	sadd.s32 $0x8F2B, s0  }
0xbc: {  	[sflag:s0] =	ssyncadd.remote.s32 $0x1  }
0xbd: {  	_ =	sfence.sel $0xFFFF  }
0xbe: {  	[dreg:$0x0] =	wrdreg $0xFFFFFFFF;
	(pc) =	sbr.abs _section_cstart, $3  }
0xbf: {  	[dreg:$0x1] =	wrdreg $0xFFFFFFFF  }
0xc0: {  	_ =	task.clear_ibuf [dreg:s6], $0x2FFFF;
	_ =	strace $0x9FFFFFFF  }
0xc1: {  	(tm) =	ssettm $0x7FFFFFFF  }
tec
execute0_lowered:
.L_overlay_start_1:
0x0: {  	(tag) =	ssettag $0x1  }
0x1: {  	s1 =	srdreg.scid  }
0x2: {  	s0 =	stileid.u32;
	s5 =	rddreg [dreg:$0x0]  }
0x3: {  	s2 =	simm.s32 $0x0;
	s8 =	simm.s32 $0x80;
	s9 =	simm.s32 $0x400  }
0x4: {  	s10 =	simm.s32 $0x0;
	s3 =	sand.u32 $0x1, s1;
	s29 =	sshll.u32 s0, $0x1  }
0x5: {  	s30 =	sshrl.u32 s0, $0x2;
	s1 =	rddreg [dreg:$0x1];
	s4 =	sor.u32 s3, s29  }
0x6: {  	[smem:$0x7FF] =	sst s2;
	s6 =	smul.u32 $0x14000, s30;
	s7 =	sshll.u32 s4, $0x7  }
0x7: {  	s3 =	ssub.s32 $0x2, s3;
	s4 =	smul.u32 $0x500, s4;
	s7 =	sand.u32 $0x380, s7  }
0x8: {  	_ =	strace $0x80000047;
	s31 =	sshrl.u32 s3, $0x1;
	s6 =	sor.u32 s6, s7  }
0x9: {  	s4 =	sadd.s32 s4, s5;
	s7 =	simm.s32 $0x2800;
	s6 =	sshrl.u32 s6, $0x3  }
0xa: {  	s5 =	sadd.s32 s6, s5;
	s6 =	ssub.s32 s3, s31;
	s3 =	sadd.s32 $0x2200, s4  }
0xb: {  	v0 =	vimm.f32 $0.0e+00;
	v1 =	vimm.f32 $1.000000000e+00;
	s4 =	sadd.s32 $0xC200, s5;
	s5 =	smax.u32 s6, $0x1;
	s6 =	simm.s32 $0x1  }
.LBB2_1:
0xc: {  	[tilespmem:s2], [sflag:$0x1] =	stream.linear.gather [hbm4b:s3+s2], $0x2780, $0x38;
	[tilespmem:$0x5000] =	vst v63  }
0xd: {  	_ =	swait.ge [sflag:s6], $0x2780  }
0xe: {  	[sflag:s6] =	ssyncset.done $0x0  }
0xf: {  	s11 =	simm.s32 $0x0;
	[sflag:s6] =	ssyncadd.s32 $0xFFFFD880  }
.LBB2_2:
0x10: {  	p0 =	sne.s32 s11, $0x9FC0  }
.Ltmp0:
0x11: {  	_ = 	snop;
	(pc) =	sbr.rel @p0 .LBB2_2-.Ltmp0, $3  }
0x12: {  	_ =	sdelay $0x1  }
0x13: {  	s12 =	sshra.s32 s11, $0x2  }
0x14: {  	s11 =	sadd.s32 $0x40, s11;
	[tilespmem:s12+$0x2800] =	vst v0  }
0x15: {  	s11 =	simm.s32 $0x0  }
.LBB2_4:
0x16: {  	s12 =	sshra.s32 s11, $0x2  }
0x17: {  	v2 =	vld [tilespmem:s12+$0x0];
	_ =	sdelay $0x7  }
0x18: {  	[tilespmem:v2+s7+$0x0] =	vst.idx.add.f32.msk $0xffff, v1  }
0x19: {  	v2 =	vld [tilespmem:s12+$0x10];
	_ =	sdelay $0x7  }
0x1a: {  	[tilespmem:v2+s7+$0x0] =	vst.idx.add.f32.msk $0xffff, v1  }
0x1b: {  	v2 =	vld [tilespmem:s12+$0x20];
	_ =	sdelay $0x7  }
0x1c: {  	[tilespmem:v2+s7+$0x0] =	vst.idx.add.f32.msk $0xffff, v1  }
0x1d: {  	v2 =	vld [tilespmem:s12+$0x30];
	_ =	sdelay $0x7  }
0x1e: {  	[tilespmem:v2+s7+$0x0] =	vst.idx.add.f32.msk $0xffff, v1  }
0x1f: {  	v2 =	vld [tilespmem:s12+$0x40];
	_ =	sdelay $0x7  }
0x20: {  	[tilespmem:v2+s7+$0x0] =	vst.idx.add.f32.msk $0xffff, v1  }
0x21: {  	v2 =	vld [tilespmem:s12+$0x50];
	_ =	sdelay $0x7  }
0x22: {  	[tilespmem:v2+s7+$0x0] =	vst.idx.add.f32.msk $0xffff, v1  }
0x23: {  	v2 =	vld [tilespmem:s12+$0x60];
	_ =	sdelay $0x7  }
0x24: {  	[tilespmem:v2+s7+$0x0] =	vst.idx.add.f32.msk $0xffff, v1  }
0x25: {  	v2 =	vld [tilespmem:s12+$0x70];
	_ =	sdelay $0x2  }
0x26: {  	p0 =	sne.s32 s11, $0x9C00  }
.Ltmp1:
0x27: {  	_ = 	snop;
	(pc) =	sbr.rel @p0 .LBB2_4-.Ltmp1, $2  }
0x28: {  	_ =	sdelay $0x2  }
0x29: {  	s11 =	sadd.s32 $0x200, s11;
	[tilespmem:v2+s7+$0x0] =	vst.idx.add.f32.msk $0xffff, v1  }
0x2a: {  	s10 =	sadd.s32 $0x1, s10  }
0x2b: {  	p0 =	sne.s32 s10, s5  }
.Ltmp2:
0x2c: {  	_ = 	snop;
	(pc) =	sbr.rel @p0 .LBB2_1-.Ltmp2, $4  }
0x2d: {  	[hbm4b:s4+s8] =	stream.strided.scatter [tilespmem:s7], [sflag:$0x1], $0x2800, s9, s8, $0x38;
	[tilespmem:$0x5000] =	vst v63  }
0x2e: {  	_ =	swait.ge [sflag:s6], $0x2800  }
0x2f: {  	[sflag:s6] =	ssyncset.done $0x0  }
0x30: {  	[sflag:s6] =	ssyncadd.s32 $0xFFFFD800  }
0x31: {  	_ =	sfence.sel $0x180000  }
0x32: {  	[bflag:$0x0] =	sbarrier.arrive $0xFFFF  }
0x33: {  	p0 =	sne.s32 s0, $0x0;
	_ =	strace $0x90000047  }
0x34: {  	s0 =	sadd.s32 @!p0 $0x100000, s1;
	[bflag:$0x2] =	sbarrier.arrive $0xFFFF  }
0x35: {  	[sflag:s0] =	ssyncadd.tile.s32 @!p0 $0x1;
	_ =	shalt  }
.Lfunc_end2:
_tile_overlayer_lowered:
.L_overlay_start_2:
0x36: {  	(tag) =	ssettag $0x2  }
0x37: {  	s0 =	rddreg [dreg:$0x0];
	s2 =	stileid.u32  }
0x38: {  	s1 =	rddreg [dreg:$0x1];
	p0 =	sne.s32 s2, $0x0  }
0x39: {  	s3 =	rddreg [dreg:$0x2];
	[bflag:$0x3] =	sbarrier.arrive $0xFFFF;
	s2 =	simm.s32 @!p0 $0x1C01  }
0x3a: {  	[timem:s3], [sflag:s2] =	dma.local @!p0 [hbm:s0], s1  }
0x3b: {  	s0 =	simm.s32 @!p0 $0x1  }
0x3c: {  	_ =	swait.ge @!p0 [sflag:s0], s1  }
0x3d: {  	s1 =	ssub.s32 @!p0 $0x0, s1;
	[sflag:s0] =	ssyncset.done @!p0 $0x0  }
0x3e: {  	[sflag:s0] =	ssyncadd.s32 @!p0 s1  }
0x3f: {  	[bflag:$0x3] =	sbarrier.arrive $0xFFFF  }
0x40: {  	_ =	shalt  }

</sc_bundles>
